<compile_context>
chip_gen: v7x
topology: tpu7x:2x2x1
jax: 0.10.2.dev20260603
libtpu: 0.0.44.dev20260713+nightly
codegen_flags: <defaults>
</compile_context>

<pallas_src>
import dataclasses
import functools

import jax
import jax.numpy as jnp
from jax import lax
from jax.experimental import pallas as pl
from jax.experimental.pallas import tpu as pltpu
from jax.experimental.pallas import tpu_sc as plsc

BLK = 256
PHI_BLK = 512
LANES = 16
NW = 32


def _sc_compiler_params():
    cp = pltpu.CompilerParams()
    if "needs_layout_passes" in pltpu.CompilerParams.__dataclass_fields__:
        cp = dataclasses.replace(cp, needs_layout_passes=False)
    return cp


def _dot(a, b):
    return jax.lax.dot_general(
        a, b, (((1,), (0,)), ((), ())),
        preferred_element_type=jnp.float32)


def _bf(x):
    return x.astype(jnp.bfloat16)



def _phi_kernel(x_ref, w_ref, b_ref, xf_ref, pr_ref):
    h = jnp.maximum(_dot(x_ref[...], w_ref[0]) + b_ref[0], 0.0)
    xf = jnp.maximum(_dot(h, w_ref[1]) + b_ref[1], 0.0)
    xf_ref[...] = xf
    pr_ref[...] = jnp.ones_like(pr_ref)


def _phi(x, phi_Ws, phi_bs):
    B, D = x.shape
    nb = B // PHI_BLK
    return pl.pallas_call(
        _phi_kernel,
        grid=(nb,),
        in_specs=[
            pl.BlockSpec((PHI_BLK, D), lambda i: (i, 0)),
            pl.BlockSpec((2, D, D), lambda i: (0, 0, 0)),
            pl.BlockSpec((2, 1, D), lambda i: (0, 0, 0)),
        ],
        out_specs=[
            pl.BlockSpec((PHI_BLK, D), lambda i: (i, 0)),
            pl.BlockSpec((PHI_BLK, 1), lambda i: (i, 0)),
        ],
        out_shape=[
            jax.ShapeDtypeStruct((B, D), jnp.float32),
            jax.ShapeDtypeStruct((B, 1), jnp.float32),
        ],
        compiler_params=pltpu.CompilerParams(
            dimension_semantics=("arbitrary",)),
    )(x, phi_Ws, phi_bs.reshape(2, 1, D))



def _route(tr):
    B = tr.shape[0]
    B_pad = B + BLK
    nchunks = B // LANES
    mesh = plsc.VectorSubcoreMesh(core_axis_name="c", subcore_axis_name="s")

    @functools.partial(
        pl.kernel,
        out_type=(jax.ShapeDtypeStruct((B_pad,), jnp.int32),
                  jax.ShapeDtypeStruct((LANES,), jnp.int32)),
        mesh=mesh,
        scratch_types=[pltpu.VMEM((B,), jnp.int32),
                       pltpu.VMEM((B_pad,), jnp.int32),
                       pltpu.VMEM((LANES,), jnp.int32),
                       pltpu.SemaphoreType.DMA],
        compiler_params=_sc_compiler_params(),
    )
    def route_kernel(tr_hbm, src_hbm, info_hbm, tr_v, src_v, info_v, sem):
        wid = lax.axis_index("c") * 16 + lax.axis_index("s")

        @pl.when(wid == 0)
        def _():
            pltpu.async_copy(tr_hbm, tr_v, sem).wait()
            ones_v = jnp.full((LANES,), 1, jnp.int32)
            zeros_v = jnp.full((LANES,), 0, jnp.int32)

            def count_zeros(i, acc):
                chunk = tr_v[pl.ds(i * LANES, LANES)]
                return acc + jnp.where(chunk == 0, ones_v, zeros_v)

            acc = lax.fori_loop(0, nchunks, count_zeros, zeros_v)
            n0 = jnp.sum(acc)
            g1 = ((n0 + BLK - 1) // BLK) * BLK

            iota_v = lax.iota(jnp.int32, LANES)

            def init(i, c):
                src_v[pl.ds(i * LANES, LANES)] = (
                    (iota_v + i * LANES) & (B - 1))
                return c

            lax.fori_loop(0, B_pad // LANES, init, 0)

            def scatter_dest(i, carry):
                zbase, obase = carry
                chunk = tr_v[pl.ds(i * LANES, LANES)]
                is0 = chunk == 0
                z32 = jnp.where(is0, ones_v, zeros_v)
                zc = plsc.cumsum(z32)
                oc = plsc.cumsum(ones_v - z32)
                dest = jnp.where(is0, zbase + zc - 1, g1 + obase + oc - 1)
                plsc.store_scatter(src_v, [dest], iota_v + i * LANES)
                zsum = jnp.sum(z32)
                return (zbase + zsum, obase + (LANES - zsum))

            lax.fori_loop(0, nchunks, scatter_dest,
                          (jnp.int32(0), jnp.int32(0)))

            info_v[...] = jnp.full((LANES,), n0, jnp.int32)
            pltpu.async_copy(src_v, src_hbm, sem).wait()
            pltpu.async_copy(info_v, info_hbm, sem).wait()

    return route_kernel(tr)



def _gather_rows(xf, src):
    B, D = xf.shape
    B_pad = src.shape[0]
    per_w = B_pad // NW
    CS = (40, 40, 32, per_w - 112)
    CO = (0, 40, 80, 112)
    CB = 40
    mesh = plsc.VectorSubcoreMesh(core_axis_name="c", subcore_axis_name="s")

    @functools.partial(
        pl.kernel,
        out_type=jax.ShapeDtypeStruct((B_pad, D), jnp.float32),
        mesh=mesh,
        scratch_types=[pltpu.VMEM((per_w,), jnp.int32),
                       pltpu.VMEM((CB, D), jnp.float32),
                       pltpu.VMEM((CB, D), jnp.float32),
                       pltpu.VMEM((CB, D), jnp.float32),
                       pltpu.SemaphoreType.DMA,
                       pltpu.SemaphoreType.DMA,
                       pltpu.SemaphoreType.DMA,
                       pltpu.SemaphoreType.DMA,
                       pltpu.SemaphoreType.DMA,
                       pltpu.SemaphoreType.DMA],
    )
    def gather_kernel(xf_hbm, src_hbm, out_hbm, idx_v, buf0, buf1, buf2,
                      sg0, sg1, sg2, sw0, sw1, sw2):
        wid = lax.axis_index("c") * 16 + lax.axis_index("s")
        base = wid * per_w
        bufs = (buf0, buf1, buf2)
        sgs = (sg0, sg1, sg2)
        sws = (sw0, sw1, sw2)
        pltpu.sync_copy(src_hbm.at[pl.ds(base, per_w)], idx_v)
        gathers = {}
        writes = {}
        for k in range(3):
            gathers[k] = pltpu.async_copy(
                xf_hbm.at[idx_v.at[pl.ds(CO[k], CS[k])]],
                bufs[k].at[pl.ds(0, CS[k])], sgs[k])
        gathers[0].wait()
        writes[0] = pltpu.async_copy(
            buf0.at[pl.ds(0, CS[0])], out_hbm.at[pl.ds(base + CO[0], CS[0])],
            sws[0])
        gathers[1].wait()
        writes[1] = pltpu.async_copy(
            buf1.at[pl.ds(0, CS[1])], out_hbm.at[pl.ds(base + CO[1], CS[1])],
            sws[1])
        writes[0].wait()
        gathers[3] = pltpu.async_copy(
            xf_hbm.at[idx_v.at[pl.ds(CO[3], CS[3])]],
            buf0.at[pl.ds(0, CS[3])], sg0)
        gathers[2].wait()
        writes[2] = pltpu.async_copy(
            buf2.at[pl.ds(0, CS[2])], out_hbm.at[pl.ds(base + CO[2], CS[2])],
            sws[2])
        gathers[3].wait()
        writes[3] = pltpu.async_copy(
            buf0.at[pl.ds(0, CS[3])], out_hbm.at[pl.ds(base + CO[3], CS[3])],
            sw0)
        writes[1].wait()
        writes[2].wait()
        writes[3].wait()

    return gather_kernel(xf, src)



def _heads_kernel(info_ref, x_ref, w_ref, b_ref, ow_ref, ob_ref, out_ref):
    bidx = pl.program_id(0)
    n0 = info_ref[0]
    nb0 = (n0 + BLK - 1) // BLK
    t = jnp.where(bidx >= nb0, 1, 0)
    start = jnp.where(t == 0, bidx * BLK, n0 + (bidx - nb0) * BLK)
    x = x_ref[...]
    for i in range(3):
        x = jnp.maximum(_dot(x, w_ref[t, i]) + b_ref[t, i], 0.0)
    y = jnp.sum(x * ow_ref[t], axis=1, keepdims=True) + ob_ref[t]
    out_ref[pl.ds(start, BLK), :] = y


def _heads(padded_x, info, yhW_bf, yh_bs, youtW_bf, yout_b):
    B_pad, D = padded_x.shape
    nb = B_pad // BLK
    return pl.pallas_call(
        _heads_kernel,
        grid=(nb,),
        in_specs=[
            pl.BlockSpec(memory_space=pltpu.SMEM),
            pl.BlockSpec((BLK, D), lambda i: (i, 0)),
            pl.BlockSpec((2, 3, D, D), lambda i: (0, 0, 0, 0)),
            pl.BlockSpec((2, 3, 1, D), lambda i: (0, 0, 0, 0)),
            pl.BlockSpec((2, 1, D), lambda i: (0, 0, 0)),
            pl.BlockSpec((2, 1, 1), lambda i: (0, 0, 0)),
        ],
        out_specs=pl.BlockSpec((B_pad, 1), lambda i: (0, 0)),
        out_shape=jax.ShapeDtypeStruct((B_pad, 1), jnp.float32),
        compiler_params=pltpu.CompilerParams(
            dimension_semantics=("arbitrary",)),
    )(info, padded_x, yhW_bf, yh_bs.reshape(2, 3, 1, D),
      youtW_bf.reshape(2, 1, D), yout_b.reshape(2, 1, 1))



def kernel(cofeatures_input, treatment_input, phi_Ws, phi_bs, yh_Ws, yh_bs,
           yout_W, yout_b, t_W, t_b):
    B, D = cofeatures_input.shape
    tr = treatment_input.reshape(-1).astype(jnp.int32)
    del t_W, t_b
    x_flux, treatment_probs = _phi(cofeatures_input, phi_Ws, phi_bs)
    src, info = _route(tr)
    padded_x = _gather_rows(x_flux, src)
    out_buf = _heads(padded_x, info, yh_Ws, yh_bs, yout_W, yout_b)
    return (out_buf[:B], x_flux, treatment_probs)

# --- scband reference (transcript-rebuilt; emitter-appended) ---
"""Pipeline reference for scband-deep-causal-model-43602507989030 (READ-ONLY COPY).

The authoritative reference and input builder live on the scoring server;
editing this copy changes nothing except your own understanding.
"""

import jax, jax.numpy as jnp
import numpy as np


def _mlp(x, Ws, bs):
    # sequential Linear(units,units) + ReLU blocks
    for i in range(Ws.shape[0]):
        x = jax.nn.relu(x @ Ws[i] + bs[i])
    return x


def setup_inputs(seed: int = 0):
    key = jax.random.key(seed)
    ks = jax.random.split(key, 8)
    B, D = 4096, 1024
    cofeatures_input = jax.random.normal(ks[0], (B, D), dtype=jnp.float32)
    treatment_input = jax.random.randint(ks[1], (B,), 0, 2)
    # phi MLP: 2 layers of Linear(D,D)+ReLU
    phi_Ws = (jax.random.normal(ks[2], (2, D, D), dtype=jnp.float32) * 0.02)
    phi_bs = jnp.zeros((2, D), dtype=jnp.float32)
    # per-treatment hidden MLPs: 2 treatments x 3 layers of Linear(D,D)+ReLU
    yh_Ws = (jax.random.normal(ks[3], (2, 3, D, D), dtype=jnp.float32) * 0.02)
    yh_bs = jnp.zeros((2, 3, D), dtype=jnp.float32)
    # per-treatment output heads Linear(D,1)
    yout_W = (jax.random.normal(ks[4], (2, D, 1), dtype=jnp.float32) * 0.02)
    yout_b = jnp.zeros((2, 1), dtype=jnp.float32)
    # treatment logit head Linear(D,1)
    t_W = (jax.random.normal(ks[5], (D, 1), dtype=jnp.float32) * 0.02)
    t_b = jnp.zeros((1,), dtype=jnp.float32)
    return {
        "cofeatures_input": cofeatures_input,
        "treatment_input": treatment_input,
        "phi_Ws": phi_Ws, "phi_bs": phi_bs,
        "yh_Ws": yh_Ws, "yh_bs": yh_bs,
        "yout_W": yout_W, "yout_b": yout_b,
        "t_W": t_W, "t_b": t_b,
    }


def reference(cofeatures_input, treatment_input, phi_Ws, phi_bs, yh_Ws, yh_bs, yout_W, yout_b, t_W, t_b):
    treatments = (0, 1)
    # shared representation phi
    x_flux = _mlp(cofeatures_input, phi_Ws, phi_bs)
    tr = treatment_input.reshape(-1)
    x_streams = []
    for t in treatments:
        # per-treatment hidden MLP then output head, applied to all rows
        xs = _mlp(x_flux, yh_Ws[t], yh_bs[t])
        xs = xs @ yout_W[t] + yout_b[t]
        x_streams.append(xs)
    # select each row's result by its treatment, then stably group rows by treatment
    y = jnp.where((tr == 1)[:, None], x_streams[1], x_streams[0])
    order = jnp.argsort(tr, stable=True)
    out = y[order]
    treatment_probs = jax.nn.softmax(x_flux @ t_W + t_b, axis=1)
    return (out, x_flux, treatment_probs)

if __name__ == "__main__":
    import jax
    _d = setup_inputs()
    print(jax.jit(kernel)(*tuple(_d.values())))

</pallas_src>

<mosaic_0001>
#map = affine_map<(d0, d1) -> (0)>
module attributes {stable_mosaic.version = 14 : i64} {
  func.func @route_kernel(%arg0: i32, %arg1: i32, %arg2: memref<4096xi32, #tpu.memory_space<hbm>>, %arg3: memref<4352xi32, #tpu.memory_space<hbm>>, %arg4: memref<16xi32, #tpu.memory_space<hbm>>, %arg5: memref<4096xi32, #tpu.memory_space<vmem>>, %arg6: memref<4352xi32, #tpu.memory_space<vmem>>, %arg7: memref<16xi32, #tpu.memory_space<vmem>>, %arg8: memref<!tpu.dma_semaphore, #tpu.memory_space<semaphore_mem>>) attributes {dimension_semantics = [#tpu.dimension_semantics<core_parallel>, #tpu.dimension_semantics<subcore_parallel>], iteration_bounds = array<i64: 2, 16>, scalar_prefetch = 0 : i64, scratch_operands = 4 : i64, tpu.core_type = #tpu.core_type<sc_vector_subcore>, window_params = [{transform_indices = #map}, {transform_indices = #map}, {transform_indices = #map}]} {
    %mul3A = arith.constant 16 : i32
    %mul3A_0 = arith.muli %arg0, %mul3A : i32
    %add3A = arith.addi %mul3A_0, %arg1 : i32
    %eq3A = arith.constant 0 : i32
    %eq3A_1 = arith.cmpi eq, %add3A, %eq3A : i32
    %convert_element_type3A = arith.extui %eq3A_1 : i1 to i32
    %cond3A = arith.constant 0 : i32
    %cond3A_2 = arith.cmpi ne, %convert_element_type3A, %cond3A : i32
    scf.if %cond3A_2 {
      tpu.enqueue_dma source(%arg2 : memref<4096xi32, #tpu.memory_space<hbm>>) target(%arg5 : memref<4096xi32, #tpu.memory_space<vmem>>) target_semaphore(%arg8 : memref<!tpu.dma_semaphore, #tpu.memory_space<semaphore_mem>>)
      tpu.wait_dma2 semaphore(%arg8 : memref<!tpu.dma_semaphore, #tpu.memory_space<semaphore_mem>>) src(%arg2 : memref<4096xi32, #tpu.memory_space<hbm>>) dst(%arg5 : memref<4096xi32, #tpu.memory_space<vmem>>)
      %broadcast_in_dim3A = arith.constant 1 : i32
      %broadcast_in_dim3A_3 = vector.broadcast %broadcast_in_dim3A : i32 to vector<16xi32>
      %broadcast_in_dim3A_4 = arith.constant 0 : i32
      %broadcast_in_dim3A_5 = vector.broadcast %broadcast_in_dim3A_4 : i32 to vector<16xi32>
      %scan3A = arith.constant 0 : i32
      %scan3A_6 = arith.constant 256 : i32
      %scan3A_7 = arith.addi %scan3A, %scan3A_6 : i32
      %scan3A_8 = arith.constant 1 : i32
      %scan3A_9 = scf.for %scan3A_52 = %scan3A to %scan3A_7 step %scan3A_8 iter_args(%scan3A_53 = %broadcast_in_dim3A_5) -> (vector<16xi32>)  : i32 {
        %mul3A_54 = arith.constant 16 : i32
        %mul3A_55 = arith.muli %scan3A_52, %mul3A_54 : i32
        %get3A = arith.index_cast %mul3A_55 : i32 to index
        %get3A_56 = tpu.vector_load %arg5[%get3A] {strides = array<i32>} : memref<4096xi32, #tpu.memory_space<vmem>>, vector<16xi32>,
        %eq3A_57 = arith.constant 0 : i32
        %eq3A_58 = vector.broadcast %eq3A_57 : i32 to vector<16xi32>
        %eq3A_59 = arith.cmpi eq, %get3A_56, %eq3A_58 : vector<16xi32>
        %select_n3A_60 = arith.select %eq3A_59, %broadcast_in_dim3A_3, %broadcast_in_dim3A_5 : vector<16xi1>, vector<16xi32>
        %add3A_61 = arith.addi %scan3A_53, %select_n3A_60 : vector<16xi32>
        scf.yield %add3A_61 : vector<16xi32>
      }
      %scan3A_10 = arith.constant 256 : i32
      %reduce_sum3A = arith.constant true
      %reduce_sum3A_11 = vector.broadcast %reduce_sum3A : i1 to vector<16xi1>
      %reduce_sum3A_12 = tpu.scan <sum>, %scan3A_9 masked %reduce_sum3A_11 : vector<16xi32>, vector<16xi1> -> vector<16xi32>
      %reduce_sum3A_13 = vector.extract %reduce_sum3A_12[15] : i32 from vector<16xi32>
      %add3A_14 = arith.constant 256 : i32
      %add3A_15 = arith.addi %reduce_sum3A_13, %add3A_14 : i32
      %sub3A = arith.constant 1 : i32
      %sub3A_16 = arith.subi %add3A_15, %sub3A : i32
      %jit3A = arith.constant 256 : i32
      %div3A = arith.divsi %sub3A_16, %jit3A : i32
      %sign3A = arith.constant 0 : i32
      %sign3A_17 = arith.cmpi sgt, %sub3A_16, %sign3A : i32
      %sign3A_18 = arith.extui %sign3A_17 : i1 to i32
      %sign3A_19 = arith.constant 0 : i32
      %sign3A_20 = arith.cmpi slt, %sub3A_16, %sign3A_19 : i32
      %sign3A_21 = arith.extui %sign3A_20 : i1 to i32
      %sign3A_22 = arith.subi %sign3A_18, %sign3A_21 : i32
      %sign3A_23 = arith.constant 0 : i32
      %sign3A_24 = arith.cmpi sgt, %jit3A, %sign3A_23 : i32
      %sign3A_25 = arith.extui %sign3A_24 : i1 to i32
      %sign3A_26 = arith.constant 0 : i32
      %sign3A_27 = arith.cmpi slt, %jit3A, %sign3A_26 : i32
      %sign3A_28 = arith.extui %sign3A_27 : i1 to i32
      %sign3A_29 = arith.subi %sign3A_25, %sign3A_28 : i32
      %ne3A = arith.cmpi ne, %sign3A_22, %sign3A_29 : i32
      %rem3A = arith.remsi %sub3A_16, %jit3A : i32
      %ne3A_30 = arith.constant 0 : i32
      %ne3A_31 = arith.cmpi ne, %rem3A, %ne3A_30 : i32
      %and3A = arith.andi %ne3A, %ne3A_31 : i1
      %sub3A_32 = arith.constant 1 : i32
      %sub3A_33 = arith.subi %div3A, %sub3A_32 : i32
      %select_n3A = arith.select %and3A, %sub3A_33, %div3A : i32
      %mul3A_34 = arith.constant 256 : i32
      %mul3A_35 = arith.muli %select_n3A, %mul3A_34 : i32
      %iota3A = tpu.iota {dimensions = array<i32: 0>} : vector<16xi32>
      %scan3A_36 = arith.constant 0 : i32
      %scan3A_37 = arith.constant 0 : i32
      %scan3A_38 = arith.constant 272 : i32
      %scan3A_39 = arith.addi %scan3A_37, %scan3A_38 : i32
      %scan3A_40 = arith.constant 1 : i32
      scf.for %scan3A_52 = %scan3A_37 to %scan3A_39 step %scan3A_40  : i32 {
        %mul3A_53 = arith.constant 16 : i32
        %mul3A_54 = arith.muli %scan3A_52, %mul3A_53 : i32
        %add3A_55 = vector.broadcast %mul3A_54 : i32 to vector<16xi32>
        %add3A_56 = arith.addi %iota3A, %add3A_55 : vector<16xi32>
        %and3A_57 = arith.constant 4095 : i32
        %and3A_58 = vector.broadcast %and3A_57 : i32 to vector<16xi32>
        %and3A_59 = arith.andi %add3A_56, %and3A_58 : vector<16xi32>
        %mul3A_60 = arith.constant 16 : i32
        %mul3A_61 = arith.muli %scan3A_52, %mul3A_60 : i32
        %swap3A_62 = arith.index_cast %mul3A_61 : i32 to index
        %swap3A_63 = tpu.vector_load %arg6[%swap3A_62] {strides = array<i32>} : memref<4352xi32, #tpu.memory_space<vmem>>, vector<16xi32>,
        tpu.vector_store %arg6[%swap3A_62], %and3A_59 {strides = array<i32>} : memref<4352xi32, #tpu.memory_space<vmem>>, vector<16xi32>,
      }
      %scan3A_41 = arith.constant 272 : i32
      %scan3A_42 = arith.constant 0 : i32
      %scan3A_43 = arith.constant 0 : i32
      %scan3A_44 = arith.constant 0 : i32
      %scan3A_45 = arith.constant 256 : i32
      %scan3A_46 = arith.addi %scan3A_44, %scan3A_45 : i32
      %scan3A_47 = arith.constant 1 : i32
      %scan3A_48:2 = scf.for %scan3A_52 = %scan3A_44 to %scan3A_46 step %scan3A_47 iter_args(%scan3A_53 = %scan3A_42, %scan3A_54 = %scan3A_43) -> (i32, i32)  : i32 {
        %mul3A_55 = arith.constant 16 : i32
        %mul3A_56 = arith.muli %scan3A_52, %mul3A_55 : i32
        %get3A = arith.index_cast %mul3A_56 : i32 to index
        %get3A_57 = tpu.vector_load %arg5[%get3A] {strides = array<i32>} : memref<4096xi32, #tpu.memory_space<vmem>>, vector<16xi32>,
        %eq3A_58 = arith.constant 0 : i32
        %eq3A_59 = vector.broadcast %eq3A_58 : i32 to vector<16xi32>
        %eq3A_60 = arith.cmpi eq, %get3A_57, %eq3A_59 : vector<16xi32>
        %select_n3A_61 = arith.select %eq3A_60, %broadcast_in_dim3A_3, %broadcast_in_dim3A_5 : vector<16xi1>, vector<16xi32>
        %broadcast_in_dim3A_62 = arith.constant true
        %broadcast_in_dim3A_63 = vector.broadcast %broadcast_in_dim3A_62 : i1 to vector<16xi1>
        %masked_cumsum3A = tpu.scan <sum>, %select_n3A_61 masked %broadcast_in_dim3A_63 : vector<16xi32>, vector<16xi1> -> vector<16xi32>
        %sub3A_64 = arith.subi %broadcast_in_dim3A_3, %select_n3A_61 : vector<16xi32>
        %broadcast_in_dim3A_65 = arith.constant true
        %broadcast_in_dim3A_66 = vector.broadcast %broadcast_in_dim3A_65 : i1 to vector<16xi1>
        %masked_cumsum3A_67 = tpu.scan <sum>, %sub3A_64 masked %broadcast_in_dim3A_66 : vector<16xi32>, vector<16xi1> -> vector<16xi32>
        %add3A_68 = vector.broadcast %scan3A_53 : i32 to vector<16xi32>
        %add3A_69 = arith.addi %add3A_68, %masked_cumsum3A : vector<16xi32>
        %sub3A_70 = arith.constant 1 : i32
        %sub3A_71 = vector.broadcast %sub3A_70 : i32 to vector<16xi32>
        %sub3A_72 = arith.subi %add3A_69, %sub3A_71 : vector<16xi32>
        %add3A_73 = arith.addi %mul3A_35, %scan3A_54 : i32
        %add3A_74 = vector.broadcast %add3A_73 : i32 to vector<16xi32>
        %add3A_75 = arith.addi %add3A_74, %masked_cumsum3A_67 : vector<16xi32>
        %sub3A_76 = arith.constant 1 : i32
        %sub3A_77 = vector.broadcast %sub3A_76 : i32 to vector<16xi32>
        %sub3A_78 = arith.subi %add3A_75, %sub3A_77 : vector<16xi32>
        %select_n3A_79 = arith.select %eq3A_60, %sub3A_72, %sub3A_78 : vector<16xi1>, vector<16xi32>
        %mul3A_80 = arith.constant 16 : i32
        %mul3A_81 = arith.muli %scan3A_52, %mul3A_80 : i32
        %add3A_82 = vector.broadcast %mul3A_81 : i32 to vector<16xi32>
        %add3A_83 = arith.addi %iota3A, %add3A_82 : vector<16xi32>
        tpu.vector_store_idx %arg6[%select_n3A_79], %add3A_83 : memref<4352xi32, #tpu.memory_space<vmem>>[vector<16xi32>], vector<16xi32>,
        %reduce_sum3A_84 = arith.constant true
        %reduce_sum3A_85 = vector.broadcast %reduce_sum3A_84 : i1 to vector<16xi1>
        %reduce_sum3A_86 = tpu.scan <sum>, %select_n3A_61 masked %reduce_sum3A_85 : vector<16xi32>, vector<16xi1> -> vector<16xi32>
        %reduce_sum3A_87 = vector.extract %reduce_sum3A_86[15] : i32 from vector<16xi32>
        %add3A_88 = arith.addi %scan3A_53, %reduce_sum3A_87 : i32
        %sub3A_89 = arith.constant 16 : i32
        %sub3A_90 = arith.subi %sub3A_89, %reduce_sum3A_87 : i32
        %add3A_91 = arith.addi %scan3A_54, %sub3A_90 : i32
        scf.yield %add3A_88, %add3A_91 : i32, i32
      }
      %scan3A_49 = arith.constant 256 : i32
      %broadcast_in_dim3A_50 = vector.broadcast %reduce_sum3A_13 : i32 to vector<16xi32>
      %swap3A = arith.constant 0 : index
      %swap3A_51 = tpu.vector_load %arg7[%swap3A] {strides = array<i32>} : memref<16xi32, #tpu.memory_space<vmem>>, vector<16xi32>,
      tpu.vector_store %arg7[%swap3A], %broadcast_in_dim3A_50 {strides = array<i32>} : memref<16xi32, #tpu.memory_space<vmem>>, vector<16xi32>,
      tpu.enqueue_dma source(%arg6 : memref<4352xi32, #tpu.memory_space<vmem>>) target(%arg3 : memref<4352xi32, #tpu.memory_space<hbm>>) target_semaphore(%arg8 : memref<!tpu.dma_semaphore, #tpu.memory_space<semaphore_mem>>)
      tpu.wait_dma2 semaphore(%arg8 : memref<!tpu.dma_semaphore, #tpu.memory_space<semaphore_mem>>) src(%arg6 : memref<4352xi32, #tpu.memory_space<vmem>>) dst(%arg3 : memref<4352xi32, #tpu.memory_space<hbm>>)
      tpu.enqueue_dma source(%arg7 : memref<16xi32, #tpu.memory_space<vmem>>) target(%arg4 : memref<16xi32, #tpu.memory_space<hbm>>) target_semaphore(%arg8 : memref<!tpu.dma_semaphore, #tpu.memory_space<semaphore_mem>>)
      tpu.wait_dma2 semaphore(%arg8 : memref<!tpu.dma_semaphore, #tpu.memory_space<semaphore_mem>>) src(%arg7 : memref<16xi32, #tpu.memory_space<vmem>>) dst(%arg4 : memref<16xi32, #tpu.memory_space<hbm>>)
    } else {
    }
    return
  }
}

#map = affine_map<(d0, d1) -> (0, 0)>
#map1 = affine_map<(d0, d1) -> (0)>
module attributes {stable_mosaic.version = 14 : i64} {
  func.func @gather_kernel(%arg0: i32, %arg1: i32, %arg2: memref<4096x1024xf32, #tpu.memory_space<hbm>>, %arg3: memref<4352xi32, #tpu.memory_space<hbm>>, %arg4: memref<4352x1024xf32, #tpu.memory_space<hbm>>, %arg5: memref<136xi32, #tpu.memory_space<vmem>>, %arg6: memref<40x1024xf32, #tpu.memory_space<vmem>>, %arg7: memref<40x1024xf32, #tpu.memory_space<vmem>>, %arg8: memref<40x1024xf32, #tpu.memory_space<vmem>>, %arg9: memref<!tpu.dma_semaphore, #tpu.memory_space<semaphore_mem>>, %arg10: memref<!tpu.dma_semaphore, #tpu.memory_space<semaphore_mem>>, %arg11: memref<!tpu.dma_semaphore, #tpu.memory_space<semaphore_mem>>, %arg12: memref<!tpu.dma_semaphore, #tpu.memory_space<semaphore_mem>>, %arg13: memref<!tpu.dma_semaphore, #tpu.memory_space<semaphore_mem>>, %arg14: memref<!tpu.dma_semaphore, #tpu.memory_space<semaphore_mem>>) attributes {dimension_semantics = [#tpu.dimension_semantics<core_parallel>, #tpu.dimension_semantics<subcore_parallel>], iteration_bounds = array<i64: 2, 16>, scalar_prefetch = 0 : i64, scratch_operands = 10 : i64, tpu.core_type = #tpu.core_type<sc_vector_subcore>, window_params = [{transform_indices = #map}, {transform_indices = #map1}, {transform_indices = #map}]} {
    %mul3A = arith.constant 16 : i32
    %mul3A_0 = arith.muli %arg0, %mul3A : i32
    %add3A = arith.addi %mul3A_0, %arg1 : i32
    %mul3A_1 = arith.constant 136 : i32
    %mul3A_2 = arith.muli %add3A, %mul3A_1 : i32
    "tpu.region"() ({
      %run_scoped3A = tpu.sem_alloc : memref<!tpu.dma_semaphore, #tpu.memory_space<semaphore_mem>>
      %dma_start3A_153 = tpu.memref_slice %arg3[%mul3A_2] : memref<4352xi32, #tpu.memory_space<hbm>> -> memref<136xi32, #tpu.memory_space<hbm>>
      %dma_start3A_154 = tpu.memref_slice %arg3[%mul3A_2] : memref<4352xi32, #tpu.memory_space<hbm>> -> memref<136xi32, #tpu.memory_space<hbm>>
      tpu.enqueue_dma source(%dma_start3A_154 : memref<136xi32, #tpu.memory_space<hbm>>) target(%arg5 : memref<136xi32, #tpu.memory_space<vmem>>) target_semaphore(%run_scoped3A : memref<!tpu.dma_semaphore, #tpu.memory_space<semaphore_mem>>)
      %dma_wait3A_155 = tpu.memref_slice %arg3[%mul3A_2] : memref<4352xi32, #tpu.memory_space<hbm>> -> memref<136xi32, #tpu.memory_space<hbm>>
      %dma_wait3A_156 = tpu.memref_slice %arg3[%mul3A_2] : memref<4352xi32, #tpu.memory_space<hbm>> -> memref<136xi32, #tpu.memory_space<hbm>>
      tpu.wait_dma2 semaphore(%run_scoped3A : memref<!tpu.dma_semaphore, #tpu.memory_space<semaphore_mem>>) src(%dma_wait3A_156 : memref<136xi32, #tpu.memory_space<hbm>>) dst(%arg5 : memref<136xi32, #tpu.memory_space<vmem>>)
      tpu.yield
    }) : () -> ()
    %dma_start3A = arith.constant 0 : i32
    %dma_start3A_3 = arith.constant 0 : i32
    %dma_start3A_4 = tpu.memref_slice %arg6[%dma_start3A, %dma_start3A_3] : memref<40x1024xf32, #tpu.memory_space<vmem>> -> memref<40x1024xf32, #tpu.memory_space<vmem>>
    %dma_start3A_5 = arith.constant 0 : i32
    %dma_start3A_6 = tpu.memref_slice %arg5[%dma_start3A_5] : memref<136xi32, #tpu.memory_space<vmem>> -> memref<40xi32, #tpu.memory_space<vmem>>
    %dma_start3A_7 = arith.constant 0 : i32
    %dma_start3A_8 = arith.constant 0 : i32
    %dma_start3A_9 = tpu.memref_slice %arg2[%dma_start3A_7, %dma_start3A_8] : memref<4096x1024xf32, #tpu.memory_space<hbm>> -> memref<4096x1024xf32, #tpu.memory_space<hbm>>
    tpu.enqueue_indirect_dma source(%dma_start3A_9 : memref<4096x1024xf32, #tpu.memory_space<hbm>>) target(%dma_start3A_4 : memref<40x1024xf32, #tpu.memory_space<vmem>>) offsets(%dma_start3A_6 : memref<40xi32, #tpu.memory_space<vmem>>) semaphore(%arg9 : memref<!tpu.dma_semaphore, #tpu.memory_space<semaphore_mem>>)
    %dma_start3A_10 = arith.constant 0 : i32
    %dma_start3A_11 = arith.constant 0 : i32
    %dma_start3A_12 = tpu.memref_slice %arg7[%dma_start3A_10, %dma_start3A_11] : memref<40x1024xf32, #tpu.memory_space<vmem>> -> memref<40x1024xf32, #tpu.memory_space<vmem>>
    %dma_start3A_13 = arith.constant 40 : i32
    %dma_start3A_14 = tpu.memref_slice %arg5[%dma_start3A_13] : memref<136xi32, #tpu.memory_space<vmem>> -> memref<40xi32, #tpu.memory_space<vmem>>
    %dma_start3A_15 = arith.constant 0 : i32
    %dma_start3A_16 = arith.constant 0 : i32
    %dma_start3A_17 = tpu.memref_slice %arg2[%dma_start3A_15, %dma_start3A_16] : memref<4096x1024xf32, #tpu.memory_space<hbm>> -> memref<4096x1024xf32, #tpu.memory_space<hbm>>
    tpu.enqueue_indirect_dma source(%dma_start3A_17 : memref<4096x1024xf32, #tpu.memory_space<hbm>>) target(%dma_start3A_12 : memref<40x1024xf32, #tpu.memory_space<vmem>>) offsets(%dma_start3A_14 : memref<40xi32, #tpu.memory_space<vmem>>) semaphore(%arg10 : memref<!tpu.dma_semaphore, #tpu.memory_space<semaphore_mem>>)
    %dma_start3A_18 = arith.constant 0 : i32
    %dma_start3A_19 = arith.constant 0 : i32
    %dma_start3A_20 = tpu.memref_slice %arg8[%dma_start3A_18, %dma_start3A_19] : memref<40x1024xf32, #tpu.memory_space<vmem>> -> memref<32x1024xf32, #tpu.memory_space<vmem>>
    %dma_start3A_21 = arith.constant 80 : i32
    %dma_start3A_22 = tpu.memref_slice %arg5[%dma_start3A_21] : memref<136xi32, #tpu.memory_space<vmem>> -> memref<32xi32, #tpu.memory_space<vmem>>
    %dma_start3A_23 = arith.constant 0 : i32
    %dma_start3A_24 = arith.constant 0 : i32
    %dma_start3A_25 = tpu.memref_slice %arg2[%dma_start3A_23, %dma_start3A_24] : memref<4096x1024xf32, #tpu.memory_space<hbm>> -> memref<4096x1024xf32, #tpu.memory_space<hbm>>
    tpu.enqueue_indirect_dma source(%dma_start3A_25 : memref<4096x1024xf32, #tpu.memory_space<hbm>>) target(%dma_start3A_20 : memref<32x1024xf32, #tpu.memory_space<vmem>>) offsets(%dma_start3A_22 : memref<32xi32, #tpu.memory_space<vmem>>) semaphore(%arg11 : memref<!tpu.dma_semaphore, #tpu.memory_space<semaphore_mem>>)
    %dma_wait3A = arith.constant 0 : i32
    %dma_wait3A_26 = arith.constant 0 : i32
    %dma_wait3A_27 = tpu.memref_slice %arg6[%dma_wait3A, %dma_wait3A_26] : memref<40x1024xf32, #tpu.memory_space<vmem>> -> memref<40x1024xf32, #tpu.memory_space<vmem>>
    %dma_wait3A_28 = arith.constant 0 : i32
    %dma_wait3A_29 = tpu.memref_slice %arg5[%dma_wait3A_28] : memref<136xi32, #tpu.memory_space<vmem>> -> memref<40xi32, #tpu.memory_space<vmem>>
    %dma_wait3A_30 = arith.constant 0 : i32
    %dma_wait3A_31 = arith.constant 0 : i32
    %dma_wait3A_32 = tpu.memref_slice %arg2[%dma_wait3A_30, %dma_wait3A_31] : memref<4096x1024xf32, #tpu.memory_space<hbm>> -> memref<4096x1024xf32, #tpu.memory_space<hbm>>
    tpu.wait_indirect_dma semaphore(%arg9 : memref<!tpu.dma_semaphore, #tpu.memory_space<semaphore_mem>>) src(%dma_wait3A_32 : memref<4096x1024xf32, #tpu.memory_space<hbm>>) dst(%dma_wait3A_27 : memref<40x1024xf32, #tpu.memory_space<vmem>>)
    %add3A_33 = arith.constant 0 : i32
    %add3A_34 = arith.addi %mul3A_2, %add3A_33 : i32
    %dma_start3A_35 = arith.constant 0 : i32
    %dma_start3A_36 = arith.constant 0 : i32
    %dma_start3A_37 = tpu.memref_slice %arg6[%dma_start3A_35, %dma_start3A_36] : memref<40x1024xf32, #tpu.memory_space<vmem>> -> memref<40x1024xf32, #tpu.memory_space<vmem>>
    %dma_start3A_38 = arith.constant 0 : i32
    %dma_start3A_39 = tpu.memref_slice %arg4[%add3A_34, %dma_start3A_38] : memref<4352x1024xf32, #tpu.memory_space<hbm>> -> memref<40x1024xf32, #tpu.memory_space<hbm>>
    %dma_start3A_40 = arith.constant 0 : i32
    %dma_start3A_41 = tpu.memref_slice %arg4[%add3A_34, %dma_start3A_40] : memref<4352x1024xf32, #tpu.memory_space<hbm>> -> memref<40x1024xf32, #tpu.memory_space<hbm>>
    %dma_start3A_42 = arith.constant 0 : i32
    %dma_start3A_43 = arith.constant 0 : i32
    %dma_start3A_44 = tpu.memref_slice %arg6[%dma_start3A_42, %dma_start3A_43] : memref<40x1024xf32, #tpu.memory_space<vmem>> -> memref<40x1024xf32, #tpu.memory_space<vmem>>
    tpu.enqueue_dma source(%dma_start3A_44 : memref<40x1024xf32, #tpu.memory_space<vmem>>) target(%dma_start3A_41 : memref<40x1024xf32, #tpu.memory_space<hbm>>) target_semaphore(%arg12 : memref<!tpu.dma_semaphore, #tpu.memory_space<semaphore_mem>>)
    %dma_wait3A_45 = arith.constant 0 : i32
    %dma_wait3A_46 = arith.constant 0 : i32
    %dma_wait3A_47 = tpu.memref_slice %arg7[%dma_wait3A_45, %dma_wait3A_46] : memref<40x1024xf32, #tpu.memory_space<vmem>> -> memref<40x1024xf32, #tpu.memory_space<vmem>>
    %dma_wait3A_48 = arith.constant 40 : i32
    %dma_wait3A_49 = tpu.memref_slice %arg5[%dma_wait3A_48] : memref<136xi32, #tpu.memory_space<vmem>> -> memref<40xi32, #tpu.memory_space<vmem>>
    %dma_wait3A_50 = arith.constant 0 : i32
    %dma_wait3A_51 = arith.constant 0 : i32
    %dma_wait3A_52 = tpu.memref_slice %arg2[%dma_wait3A_50, %dma_wait3A_51] : memref<4096x1024xf32, #tpu.memory_space<hbm>> -> memref<4096x1024xf32, #tpu.memory_space<hbm>>
    tpu.wait_indirect_dma semaphore(%arg10 : memref<!tpu.dma_semaphore, #tpu.memory_space<semaphore_mem>>) src(%dma_wait3A_52 : memref<4096x1024xf32, #tpu.memory_space<hbm>>) dst(%dma_wait3A_47 : memref<40x1024xf32, #tpu.memory_space<vmem>>)
    %add3A_53 = arith.constant 40 : i32
    %add3A_54 = arith.addi %mul3A_2, %add3A_53 : i32
    %dma_start3A_55 = arith.constant 0 : i32
    %dma_start3A_56 = arith.constant 0 : i32
    %dma_start3A_57 = tpu.memref_slice %arg7[%dma_start3A_55, %dma_start3A_56] : memref<40x1024xf32, #tpu.memory_space<vmem>> -> memref<40x1024xf32, #tpu.memory_space<vmem>>
    %dma_start3A_58 = arith.constant 0 : i32
    %dma_start3A_59 = tpu.memref_slice %arg4[%add3A_54, %dma_start3A_58] : memref<4352x1024xf32, #tpu.memory_space<hbm>> -> memref<40x1024xf32, #tpu.memory_space<hbm>>
    %dma_start3A_60 = arith.constant 0 : i32
    %dma_start3A_61 = tpu.memref_slice %arg4[%add3A_54, %dma_start3A_60] : memref<4352x1024xf32, #tpu.memory_space<hbm>> -> memref<40x1024xf32, #tpu.memory_space<hbm>>
    %dma_start3A_62 = arith.constant 0 : i32
    %dma_start3A_63 = arith.constant 0 : i32
    %dma_start3A_64 = tpu.memref_slice %arg7[%dma_start3A_62, %dma_start3A_63] : memref<40x1024xf32, #tpu.memory_space<vmem>> -> memref<40x1024xf32, #tpu.memory_space<vmem>>
    tpu.enqueue_dma source(%dma_start3A_64 : memref<40x1024xf32, #tpu.memory_space<vmem>>) target(%dma_start3A_61 : memref<40x1024xf32, #tpu.memory_space<hbm>>) target_semaphore(%arg13 : memref<!tpu.dma_semaphore, #tpu.memory_space<semaphore_mem>>)
    %dma_wait3A_65 = arith.constant 0 : i32
    %dma_wait3A_66 = arith.constant 0 : i32
    %dma_wait3A_67 = tpu.memref_slice %arg6[%dma_wait3A_65, %dma_wait3A_66] : memref<40x1024xf32, #tpu.memory_space<vmem>> -> memref<40x1024xf32, #tpu.memory_space<vmem>>
    %dma_wait3A_68 = arith.constant 0 : i32
    %dma_wait3A_69 = tpu.memref_slice %arg4[%add3A_34, %dma_wait3A_68] : memref<4352x1024xf32, #tpu.memory_space<hbm>> -> memref<40x1024xf32, #tpu.memory_space<hbm>>
    %dma_wait3A_70 = arith.constant 0 : i32
    %dma_wait3A_71 = tpu.memref_slice %arg4[%add3A_34, %dma_wait3A_70] : memref<4352x1024xf32, #tpu.memory_space<hbm>> -> memref<40x1024xf32, #tpu.memory_space<hbm>>
    %dma_wait3A_72 = arith.constant 0 : i32
    %dma_wait3A_73 = arith.constant 0 : i32
    %dma_wait3A_74 = tpu.memref_slice %arg6[%dma_wait3A_72, %dma_wait3A_73] : memref<40x1024xf32, #tpu.memory_space<vmem>> -> memref<40x1024xf32, #tpu.memory_space<vmem>>
    tpu.wait_dma2 semaphore(%arg12 : memref<!tpu.dma_semaphore, #tpu.memory_space<semaphore_mem>>) src(%dma_wait3A_74 : memref<40x1024xf32, #tpu.memory_space<vmem>>) dst(%dma_wait3A_71 : memref<40x1024xf32, #tpu.memory_space<hbm>>)
    %dma_start3A_75 = arith.constant 0 : i32
    %dma_start3A_76 = arith.constant 0 : i32
    %dma_start3A_77 = tpu.memref_slice %arg6[%dma_start3A_75, %dma_start3A_76] : memref<40x1024xf32, #tpu.memory_space<vmem>> -> memref<24x1024xf32, #tpu.memory_space<vmem>>
    %dma_start3A_78 = arith.constant 112 : i32
    %dma_start3A_79 = tpu.memref_slice %arg5[%dma_start3A_78] : memref<136xi32, #tpu.memory_space<vmem>> -> memref<24xi32, #tpu.memory_space<vmem>>
    %dma_start3A_80 = arith.constant 0 : i32
    %dma_start3A_81 = arith.constant 0 : i32
    %dma_start3A_82 = tpu.memref_slice %arg2[%dma_start3A_80, %dma_start3A_81] : memref<4096x1024xf32, #tpu.memory_space<hbm>> -> memref<4096x1024xf32, #tpu.memory_space<hbm>>
    tpu.enqueue_indirect_dma source(%dma_start3A_82 : memref<4096x1024xf32, #tpu.memory_space<hbm>>) target(%dma_start3A_77 : memref<24x1024xf32, #tpu.memory_space<vmem>>) offsets(%dma_start3A_79 : memref<24xi32, #tpu.memory_space<vmem>>) semaphore(%arg9 : memref<!tpu.dma_semaphore, #tpu.memory_space<semaphore_mem>>)
    %dma_wait3A_83 = arith.constant 0 : i32
    %dma_wait3A_84 = arith.constant 0 : i32
    %dma_wait3A_85 = tpu.memref_slice %arg8[%dma_wait3A_83, %dma_wait3A_84] : memref<40x1024xf32, #tpu.memory_space<vmem>> -> memref<32x1024xf32, #tpu.memory_space<vmem>>
    %dma_wait3A_86 = arith.constant 80 : i32
    %dma_wait3A_87 = tpu.memref_slice %arg5[%dma_wait3A_86] : memref<136xi32, #tpu.memory_space<vmem>> -> memref<32xi32, #tpu.memory_space<vmem>>
    %dma_wait3A_88 = arith.constant 0 : i32
    %dma_wait3A_89 = arith.constant 0 : i32
    %dma_wait3A_90 = tpu.memref_slice %arg2[%dma_wait3A_88, %dma_wait3A_89] : memref<4096x1024xf32, #tpu.memory_space<hbm>> -> memref<4096x1024xf32, #tpu.memory_space<hbm>>
    tpu.wait_indirect_dma semaphore(%arg11 : memref<!tpu.dma_semaphore, #tpu.memory_space<semaphore_mem>>) src(%dma_wait3A_90 : memref<4096x1024xf32, #tpu.memory_space<hbm>>) dst(%dma_wait3A_85 : memref<32x1024xf32, #tpu.memory_space<vmem>>)
    %add3A_91 = arith.constant 80 : i32
    %add3A_92 = arith.addi %mul3A_2, %add3A_91 : i32
    %dma_start3A_93 = arith.constant 0 : i32
    %dma_start3A_94 = arith.constant 0 : i32
    %dma_start3A_95 = tpu.memref_slice %arg8[%dma_start3A_93, %dma_start3A_94] : memref<40x1024xf32, #tpu.memory_space<vmem>> -> memref<32x1024xf32, #tpu.memory_space<vmem>>
    %dma_start3A_96 = arith.constant 0 : i32
    %dma_start3A_97 = tpu.memref_slice %arg4[%add3A_92, %dma_start3A_96] : memref<4352x1024xf32, #tpu.memory_space<hbm>> -> memref<32x1024xf32, #tpu.memory_space<hbm>>
    %dma_start3A_98 = arith.constant 0 : i32
    %dma_start3A_99 = tpu.memref_slice %arg4[%add3A_92, %dma_start3A_98] : memref<4352x1024xf32, #tpu.memory_space<hbm>> -> memref<32x1024xf32, #tpu.memory_space<hbm>>
    %dma_start3A_100 = arith.constant 0 : i32
    %dma_start3A_101 = arith.constant 0 : i32
    %dma_start3A_102 = tpu.memref_slice %arg8[%dma_start3A_100, %dma_start3A_101] : memref<40x1024xf32, #tpu.memory_space<vmem>> -> memref<32x1024xf32, #tpu.memory_space<vmem>>
    tpu.enqueue_dma source(%dma_start3A_102 : memref<32x1024xf32, #tpu.memory_space<vmem>>) target(%dma_start3A_99 : memref<32x1024xf32, #tpu.memory_space<hbm>>) target_semaphore(%arg14 : memref<!tpu.dma_semaphore, #tpu.memory_space<semaphore_mem>>)
    %dma_wait3A_103 = arith.constant 0 : i32
    %dma_wait3A_104 = arith.constant 0 : i32
    %dma_wait3A_105 = tpu.memref_slice %arg6[%dma_wait3A_103, %dma_wait3A_104] : memref<40x1024xf32, #tpu.memory_space<vmem>> -> memref<24x1024xf32, #tpu.memory_space<vmem>>
    %dma_wait3A_106 = arith.constant 112 : i32
    %dma_wait3A_107 = tpu.memref_slice %arg5[%dma_wait3A_106] : memref<136xi32, #tpu.memory_space<vmem>> -> memref<24xi32, #tpu.memory_space<vmem>>
    %dma_wait3A_108 = arith.constant 0 : i32
    %dma_wait3A_109 = arith.constant 0 : i32
    %dma_wait3A_110 = tpu.memref_slice %arg2[%dma_wait3A_108, %dma_wait3A_109] : memref<4096x1024xf32, #tpu.memory_space<hbm>> -> memref<4096x1024xf32, #tpu.memory_space<hbm>>
    tpu.wait_indirect_dma semaphore(%arg9 : memref<!tpu.dma_semaphore, #tpu.memory_space<semaphore_mem>>) src(%dma_wait3A_110 : memref<4096x1024xf32, #tpu.memory_space<hbm>>) dst(%dma_wait3A_105 : memref<24x1024xf32, #tpu.memory_space<vmem>>)
    %add3A_111 = arith.constant 112 : i32
    %add3A_112 = arith.addi %mul3A_2, %add3A_111 : i32
    %dma_start3A_113 = arith.constant 0 : i32
    %dma_start3A_114 = arith.constant 0 : i32
    %dma_start3A_115 = tpu.memref_slice %arg6[%dma_start3A_113, %dma_start3A_114] : memref<40x1024xf32, #tpu.memory_space<vmem>> -> memref<24x1024xf32, #tpu.memory_space<vmem>>
    %dma_start3A_116 = arith.constant 0 : i32
    %dma_start3A_117 = tpu.memref_slice %arg4[%add3A_112, %dma_start3A_116] : memref<4352x1024xf32, #tpu.memory_space<hbm>> -> memref<24x1024xf32, #tpu.memory_space<hbm>>
    %dma_start3A_118 = arith.constant 0 : i32
    %dma_start3A_119 = tpu.memref_slice %arg4[%add3A_112, %dma_start3A_118] : memref<4352x1024xf32, #tpu.memory_space<hbm>> -> memref<24x1024xf32, #tpu.memory_space<hbm>>
    %dma_start3A_120 = arith.constant 0 : i32
    %dma_start3A_121 = arith.constant 0 : i32
    %dma_start3A_122 = tpu.memref_slice %arg6[%dma_start3A_120, %dma_start3A_121] : memref<40x1024xf32, #tpu.memory_space<vmem>> -> memref<24x1024xf32, #tpu.memory_space<vmem>>
    tpu.enqueue_dma source(%dma_start3A_122 : memref<24x1024xf32, #tpu.memory_space<vmem>>) target(%dma_start3A_119 : memref<24x1024xf32, #tpu.memory_space<hbm>>) target_semaphore(%arg12 : memref<!tpu.dma_semaphore, #tpu.memory_space<semaphore_mem>>)
    %dma_wait3A_123 = arith.constant 0 : i32
    %dma_wait3A_124 = arith.constant 0 : i32
    %dma_wait3A_125 = tpu.memref_slice %arg7[%dma_wait3A_123, %dma_wait3A_124] : memref<40x1024xf32, #tpu.memory_space<vmem>> -> memref<40x1024xf32, #tpu.memory_space<vmem>>
    %dma_wait3A_126 = arith.constant 0 : i32
    %dma_wait3A_127 = tpu.memref_slice %arg4[%add3A_54, %dma_wait3A_126] : memref<4352x1024xf32, #tpu.memory_space<hbm>> -> memref<40x1024xf32, #tpu.memory_space<hbm>>
    %dma_wait3A_128 = arith.constant 0 : i32
    %dma_wait3A_129 = tpu.memref_slice %arg4[%add3A_54, %dma_wait3A_128] : memref<4352x1024xf32, #tpu.memory_space<hbm>> -> memref<40x1024xf32, #tpu.memory_space<hbm>>
    %dma_wait3A_130 = arith.constant 0 : i32
    %dma_wait3A_131 = arith.constant 0 : i32
    %dma_wait3A_132 = tpu.memref_slice %arg7[%dma_wait3A_130, %dma_wait3A_131] : memref<40x1024xf32, #tpu.memory_space<vmem>> -> memref<40x1024xf32, #tpu.memory_space<vmem>>
    tpu.wait_dma2 semaphore(%arg13 : memref<!tpu.dma_semaphore, #tpu.memory_space<semaphore_mem>>) src(%dma_wait3A_132 : memref<40x1024xf32, #tpu.memory_space<vmem>>) dst(%dma_wait3A_129 : memref<40x1024xf32, #tpu.memory_space<hbm>>)
    %dma_wait3A_133 = arith.constant 0 : i32
    %dma_wait3A_134 = arith.constant 0 : i32
    %dma_wait3A_135 = tpu.memref_slice %arg8[%dma_wait3A_133, %dma_wait3A_134] : memref<40x1024xf32, #tpu.memory_space<vmem>> -> memref<32x1024xf32, #tpu.memory_space<vmem>>
    %dma_wait3A_136 = arith.constant 0 : i32
    %dma_wait3A_137 = tpu.memref_slice %arg4[%add3A_92, %dma_wait3A_136] : memref<4352x1024xf32, #tpu.memory_space<hbm>> -> memref<32x1024xf32, #tpu.memory_space<hbm>>
    %dma_wait3A_138 = arith.constant 0 : i32
    %dma_wait3A_139 = tpu.memref_slice %arg4[%add3A_92, %dma_wait3A_138] : memref<4352x1024xf32, #tpu.memory_space<hbm>> -> memref<32x1024xf32, #tpu.memory_space<hbm>>
    %dma_wait3A_140 = arith.constant 0 : i32
    %dma_wait3A_141 = arith.constant 0 : i32
    %dma_wait3A_142 = tpu.memref_slice %arg8[%dma_wait3A_140, %dma_wait3A_141] : memref<40x1024xf32, #tpu.memory_space<vmem>> -> memref<32x1024xf32, #tpu.memory_space<vmem>>
    tpu.wait_dma2 semaphore(%arg14 : memref<!tpu.dma_semaphore, #tpu.memory_space<semaphore_mem>>) src(%dma_wait3A_142 : memref<32x1024xf32, #tpu.memory_space<vmem>>) dst(%dma_wait3A_139 : memref<32x1024xf32, #tpu.memory_space<hbm>>)
    %dma_wait3A_143 = arith.constant 0 : i32
    %dma_wait3A_144 = arith.constant 0 : i32
    %dma_wait3A_145 = tpu.memref_slice %arg6[%dma_wait3A_143, %dma_wait3A_144] : memref<40x1024xf32, #tpu.memory_space<vmem>> -> memref<24x1024xf32, #tpu.memory_space<vmem>>
    %dma_wait3A_146 = arith.constant 0 : i32
    %dma_wait3A_147 = tpu.memref_slice %arg4[%add3A_112, %dma_wait3A_146] : memref<4352x1024xf32, #tpu.memory_space<hbm>> -> memref<24x1024xf32, #tpu.memory_space<hbm>>
    %dma_wait3A_148 = arith.constant 0 : i32
    %dma_wait3A_149 = tpu.memref_slice %arg4[%add3A_112, %dma_wait3A_148] : memref<4352x1024xf32, #tpu.memory_space<hbm>> -> memref<24x1024xf32, #tpu.memory_space<hbm>>
    %dma_wait3A_150 = arith.constant 0 : i32
    %dma_wait3A_151 = arith.constant 0 : i32
    %dma_wait3A_152 = tpu.memref_slice %arg6[%dma_wait3A_150, %dma_wait3A_151] : memref<40x1024xf32, #tpu.memory_space<vmem>> -> memref<24x1024xf32, #tpu.memory_space<vmem>>
    tpu.wait_dma2 semaphore(%arg12 : memref<!tpu.dma_semaphore, #tpu.memory_space<semaphore_mem>>) src(%dma_wait3A_152 : memref<24x1024xf32, #tpu.memory_space<vmem>>) dst(%dma_wait3A_149 : memref<24x1024xf32, #tpu.memory_space<hbm>>)
    return
  }
}

module attributes {stable_mosaic.version = 14 : i64} {
  func.func @_heads_kernel(%arg0: i32, %arg1: memref<16xi32, #tpu.memory_space<smem>>, %arg2: memref<256x1024xf32, #tpu.memory_space<vmem>>, %arg3: memref<2x3x1024x1024xf32, #tpu.memory_space<vmem>>, %arg4: memref<2x3x1x1024xf32, #tpu.memory_space<vmem>>, %arg5: memref<2x1x1024xf32, #tpu.memory_space<vmem>>, %arg6: memref<2x1x1xf32, #tpu.memory_space<vmem>>, %arg7: memref<4352x1xf32, #tpu.memory_space<vmem>>) attributes {dimension_semantics = [#tpu.dimension_semantics<arbitrary>], iteration_bounds = array<i64: 17>, scalar_prefetch = 0 : i64, scratch_operands = 0 : i64, tpu.core_type = #tpu.core_type<tc>, window_params = [{transform_indices = @transform_0, window_bounds = array<i64: 16>}, {transform_indices = @transform_1, window_bounds = array<i64: 256, 1024>}, {pipeline_mode = #tpu.pipeline_mode<synchronous>, transform_indices = @transform_2, window_bounds = array<i64: 2, 3, 1024, 1024>}, {pipeline_mode = #tpu.pipeline_mode<synchronous>, transform_indices = @transform_3, window_bounds = array<i64: 2, 3, 1, 1024>}, {pipeline_mode = #tpu.pipeline_mode<synchronous>, transform_indices = @transform_4, window_bounds = array<i64: 2, 1, 1024>}, {pipeline_mode = #tpu.pipeline_mode<synchronous>, transform_indices = @transform_5, window_bounds = array<i64: 2, 1, 1>}, {pipeline_mode = #tpu.pipeline_mode<synchronous>, transform_indices = @transform_6, window_bounds = array<i64: 4352, 1>}]} {
    %get3A = arith.constant 0 : index
    %get3A_0 = memref.load %arg1[%get3A] : memref<16xi32, #tpu.memory_space<smem>>
    %add3A = arith.constant 256 : i32
    %add3A_1 = arith.addi %get3A_0, %add3A : i32
    %sub3A = arith.constant 1 : i32
    %sub3A_2 = arith.subi %add3A_1, %sub3A : i32
    %jit3A = arith.constant 256 : i32
    %div3A = arith.divsi %sub3A_2, %jit3A : i32
    %sign3A = arith.constant 0 : i32
    %sign3A_3 = arith.cmpi sgt, %sub3A_2, %sign3A : i32
    %sign3A_4 = arith.extui %sign3A_3 : i1 to i32
    %sign3A_5 = arith.constant 0 : i32
    %sign3A_6 = arith.cmpi slt, %sub3A_2, %sign3A_5 : i32
    %sign3A_7 = arith.extui %sign3A_6 : i1 to i32
    %sign3A_8 = arith.subi %sign3A_4, %sign3A_7 : i32
    %sign3A_9 = arith.constant 0 : i32
    %sign3A_10 = arith.cmpi sgt, %jit3A, %sign3A_9 : i32
    %sign3A_11 = arith.extui %sign3A_10 : i1 to i32
    %sign3A_12 = arith.constant 0 : i32
    %sign3A_13 = arith.cmpi slt, %jit3A, %sign3A_12 : i32
    %sign3A_14 = arith.extui %sign3A_13 : i1 to i32
    %sign3A_15 = arith.subi %sign3A_11, %sign3A_14 : i32
    %ne3A = arith.cmpi ne, %sign3A_8, %sign3A_15 : i32
    %rem3A = arith.remsi %sub3A_2, %jit3A : i32
    %ne3A_16 = arith.constant 0 : i32
    %ne3A_17 = arith.cmpi ne, %rem3A, %ne3A_16 : i32
    %and3A = arith.andi %ne3A, %ne3A_17 : i1
    %sub3A_18 = arith.constant 1 : i32
    %sub3A_19 = arith.subi %div3A, %sub3A_18 : i32
    %select_n3A = arith.select %and3A, %sub3A_19, %div3A : i32
    %ge3A = arith.cmpi sge, %arg0, %select_n3A : i32
    %jit3A_20 = arith.constant 1 : i32
    %jit3A_21 = arith.constant 0 : i32
    %select_n3A_22 = arith.select %ge3A, %jit3A_20, %jit3A_21 : i32
    %eq3A = arith.constant 0 : i32
    %eq3A_23 = arith.cmpi eq, %select_n3A_22, %eq3A : i32
    %mul3A = arith.constant 256 : i32
    %mul3A_24 = arith.muli %arg0, %mul3A : i32
    %sub3A_25 = arith.subi %arg0, %select_n3A : i32
    %mul3A_26 = arith.constant 256 : i32
    %mul3A_27 = arith.muli %sub3A_25, %mul3A_26 : i32
    %add3A_28 = arith.addi %get3A_0, %mul3A_27 : i32
    %select_n3A_29 = arith.select %eq3A_23, %mul3A_24, %add3A_28 : i32
    %get3A_30 = arith.constant 0 : index
    %get3A_31 = arith.constant 0 : index
    %get3A_32 = vector.load %arg2[%get3A_30, %get3A_31] : memref<256x1024xf32, #tpu.memory_space<vmem>>, vector<256x1024xf32>
    %get3A_33 = arith.index_cast %select_n3A_22 : i32 to index
    %get3A_34 = arith.constant 0 : index
    %get3A_35 = arith.constant 0 : index
    %get3A_36 = arith.constant 0 : index
    %get3A_37 = vector.load %arg3[%get3A_33, %get3A_34, %get3A_35, %get3A_36] : memref<2x3x1024x1024xf32, #tpu.memory_space<vmem>>, vector<1x1x1024x1024xf32>
    %get3A_38 = vector.shape_cast %get3A_37 : vector<1x1x1024x1024xf32> to vector<1024x1024xf32>
    %dot_general3A = arith.constant dense<0.000000e+00> : vector<256x1024xf32>
    %dot_general3A_39 = tpu.matmul %get3A_32, %get3A_38, %dot_general3A {dimension_numbers = #tpu.dot_dimension_numbers<[1], [0], [0], [1], [0, 0, 1, 1], [], []>, transpose_lhs_hint = false} : vector<256x1024xf32>, vector<1024x1024xf32>, vector<256x1024xf32> -> vector<256x1024xf32>
    %get3A_40 = arith.index_cast %select_n3A_22 : i32 to index
    %get3A_41 = arith.constant 0 : index
    %get3A_42 = arith.constant 0 : index
    %get3A_43 = arith.constant 0 : index
    %get3A_44 = vector.load %arg4[%get3A_40, %get3A_41, %get3A_42, %get3A_43] : memref<2x3x1x1024xf32, #tpu.memory_space<vmem>>, vector<1x1x1x1024xf32>
    %get3A_45 = vector.shape_cast %get3A_44 : vector<1x1x1x1024xf32> to vector<1x1024xf32>
    %add3A_46 = vector.broadcast %get3A_45 : vector<1x1024xf32> to vector<256x1024xf32>
    %add3A_47 = arith.addf %dot_general3A_39, %add3A_46 : vector<256x1024xf32>
    %max3A = arith.constant 0.000000e+00 : f32
    %max3A_48 = vector.broadcast %max3A : f32 to vector<256x1024xf32>
    %max3A_49 = arith.maximumf %add3A_47, %max3A_48 : vector<256x1024xf32>
    %get3A_50 = arith.index_cast %select_n3A_22 : i32 to index
    %get3A_51 = arith.constant 1 : index
    %get3A_52 = arith.constant 0 : index
    %get3A_53 = arith.constant 0 : index
    %get3A_54 = vector.load %arg3[%get3A_50, %get3A_51, %get3A_52, %get3A_53] : memref<2x3x1024x1024xf32, #tpu.memory_space<vmem>>, vector<1x1x1024x1024xf32>
    %get3A_55 = vector.shape_cast %get3A_54 : vector<1x1x1024x1024xf32> to vector<1024x1024xf32>
    %dot_general3A_56 = arith.constant dense<0.000000e+00> : vector<256x1024xf32>
    %dot_general3A_57 = tpu.matmul %max3A_49, %get3A_55, %dot_general3A_56 {dimension_numbers = #tpu.dot_dimension_numbers<[1], [0], [0], [1], [0, 0, 1, 1], [], []>, transpose_lhs_hint = false} : vector<256x1024xf32>, vector<1024x1024xf32>, vector<256x1024xf32> -> vector<256x1024xf32>
    %get3A_58 = arith.index_cast %select_n3A_22 : i32 to index
    %get3A_59 = arith.constant 1 : index
    %get3A_60 = arith.constant 0 : index
    %get3A_61 = arith.constant 0 : index
    %get3A_62 = vector.load %arg4[%get3A_58, %get3A_59, %get3A_60, %get3A_61] : memref<2x3x1x1024xf32, #tpu.memory_space<vmem>>, vector<1x1x1x1024xf32>
    %get3A_63 = vector.shape_cast %get3A_62 : vector<1x1x1x1024xf32> to vector<1x1024xf32>
    %add3A_64 = vector.broadcast %get3A_63 : vector<1x1024xf32> to vector<256x1024xf32>
    %add3A_65 = arith.addf %dot_general3A_57, %add3A_64 : vector<256x1024xf32>
    %max3A_66 = arith.constant 0.000000e+00 : f32
    %max3A_67 = vector.broadcast %max3A_66 : f32 to vector<256x1024xf32>
    %max3A_68 = arith.maximumf %add3A_65, %max3A_67 : vector<256x1024xf32>
    %get3A_69 = arith.index_cast %select_n3A_22 : i32 to index
    %get3A_70 = arith.constant 2 : index
    %get3A_71 = arith.constant 0 : index
    %get3A_72 = arith.constant 0 : index
    %get3A_73 = vector.load %arg3[%get3A_69, %get3A_70, %get3A_71, %get3A_72] : memref<2x3x1024x1024xf32, #tpu.memory_space<vmem>>, vector<1x1x1024x1024xf32>
    %get3A_74 = vector.shape_cast %get3A_73 : vector<1x1x1024x1024xf32> to vector<1024x1024xf32>
    %dot_general3A_75 = arith.constant dense<0.000000e+00> : vector<256x1024xf32>
    %dot_general3A_76 = tpu.matmul %max3A_68, %get3A_74, %dot_general3A_75 {dimension_numbers = #tpu.dot_dimension_numbers<[1], [0], [0], [1], [0, 0, 1, 1], [], []>, transpose_lhs_hint = false} : vector<256x1024xf32>, vector<1024x1024xf32>, vector<256x1024xf32> -> vector<256x1024xf32>
    %get3A_77 = arith.index_cast %select_n3A_22 : i32 to index
    %get3A_78 = arith.constant 2 : index
    %get3A_79 = arith.constant 0 : index
    %get3A_80 = arith.constant 0 : index
    %get3A_81 = vector.load %arg4[%get3A_77, %get3A_78, %get3A_79, %get3A_80] : memref<2x3x1x1024xf32, #tpu.memory_space<vmem>>, vector<1x1x1x1024xf32>
    %get3A_82 = vector.shape_cast %get3A_81 : vector<1x1x1x1024xf32> to vector<1x1024xf32>
    %add3A_83 = vector.broadcast %get3A_82 : vector<1x1024xf32> to vector<256x1024xf32>
    %add3A_84 = arith.addf %dot_general3A_76, %add3A_83 : vector<256x1024xf32>
    %max3A_85 = arith.constant 0.000000e+00 : f32
    %max3A_86 = vector.broadcast %max3A_85 : f32 to vector<256x1024xf32>
    %max3A_87 = arith.maximumf %add3A_84, %max3A_86 : vector<256x1024xf32>
    %get3A_88 = arith.index_cast %select_n3A_22 : i32 to index
    %get3A_89 = arith.constant 0 : index
    %get3A_90 = arith.constant 0 : index
    %get3A_91 = vector.load %arg5[%get3A_88, %get3A_89, %get3A_90] : memref<2x1x1024xf32, #tpu.memory_space<vmem>>, vector<1x1x1024xf32>
    %get3A_92 = vector.shape_cast %get3A_91 : vector<1x1x1024xf32> to vector<1x1024xf32>
    %mul3A_93 = vector.broadcast %get3A_92 : vector<1x1024xf32> to vector<256x1024xf32>
    %mul3A_94 = arith.mulf %max3A_87, %mul3A_93 : vector<256x1024xf32>
    %reduce_sum3A = arith.constant dense<0.000000e+00> : vector<256xf32>
    %reduce_sum3A_95 = vector.multi_reduction <add>, %mul3A_94, %reduce_sum3A [1] : vector<256x1024xf32> to vector<256xf32>
    %broadcast_in_dim3A = vector.shape_cast %reduce_sum3A_95 : vector<256xf32> to vector<256x1xf32>
    %get3A_96 = arith.index_cast %select_n3A_22 : i32 to index
    %get3A_97 = arith.constant 0 : index
    %get3A_98 = arith.constant 0 : index
    %get3A_99 = vector.load %arg6[%get3A_96, %get3A_97, %get3A_98] : memref<2x1x1xf32, #tpu.memory_space<vmem>>, vector<1x1x1xf32>
    %get3A_100 = vector.shape_cast %get3A_99 : vector<1x1x1xf32> to vector<1x1xf32>
    %add3A_101 = vector.broadcast %get3A_100 : vector<1x1xf32> to vector<256x1xf32>
    %add3A_102 = arith.addf %broadcast_in_dim3A, %add3A_101 : vector<256x1xf32>
    %swap3A = arith.index_cast %select_n3A_29 : i32 to index
    %swap3A_103 = arith.constant 0 : index
    %swap3A_104 = vector.load %arg7[%swap3A, %swap3A_103] : memref<4352x1xf32, #tpu.memory_space<vmem>>, vector<256x1xf32>
    tpu.vector_store %arg7[%swap3A, %swap3A_103], %add3A_102 {strides = array<i32>} : memref<4352x1xf32, #tpu.memory_space<vmem>>, vector<256x1xf32>,
    return
  }
  func.func @transform_0(%arg0: i32) -> i32 {
    %c0_i32 = arith.constant 0 : i32
    %c0_i32_0 = arith.constant 0 : i32
    return %c0_i32 : i32
  }
  func.func @transform_1(%arg0: i32) -> (i32, i32) {
    %c0_i32 = arith.constant 0 : i32
    %c0_i32_0 = arith.constant 0 : i32
    return %arg0, %c0_i32 : i32, i32
  }
  func.func @transform_2(%arg0: i32) -> (i32, i32, i32, i32) {
    %c0_i32 = arith.constant 0 : i32
    %c0_i32_0 = arith.constant 0 : i32
    %c0_i32_1 = arith.constant 0 : i32
    %c0_i32_2 = arith.constant 0 : i32
    %c0_i32_3 = arith.constant 0 : i32
    return %c0_i32, %c0_i32_0, %c0_i32_1, %c0_i32_2 : i32, i32, i32, i32
  }
  func.func @transform_3(%arg0: i32) -> (i32, i32, i32, i32) {
    %c0_i32 = arith.constant 0 : i32
    %c0_i32_0 = arith.constant 0 : i32
    %c0_i32_1 = arith.constant 0 : i32
    %c0_i32_2 = arith.constant 0 : i32
    %c0_i32_3 = arith.constant 0 : i32
    return %c0_i32, %c0_i32_0, %c0_i32_1, %c0_i32_2 : i32, i32, i32, i32
  }
  func.func @transform_4(%arg0: i32) -> (i32, i32, i32) {
    %c0_i32 = arith.constant 0 : i32
    %c0_i32_0 = arith.constant 0 : i32
    %c0_i32_1 = arith.constant 0 : i32
    %c0_i32_2 = arith.constant 0 : i32
    return %c0_i32, %c0_i32_0, %c0_i32_1 : i32, i32, i32
  }
  func.func @transform_5(%arg0: i32) -> (i32, i32, i32) {
    %c0_i32 = arith.constant 0 : i32
    %c0_i32_0 = arith.constant 0 : i32
    %c0_i32_1 = arith.constant 0 : i32
    %c0_i32_2 = arith.constant 0 : i32
    return %c0_i32, %c0_i32_0, %c0_i32_1 : i32, i32, i32
  }
  func.func @transform_6(%arg0: i32) -> (i32, i32) {
    %c0_i32 = arith.constant 0 : i32
    %c0_i32_0 = arith.constant 0 : i32
    %c0_i32_1 = arith.constant 0 : i32
    return %c0_i32, %c0_i32_0 : i32, i32
  }
}

module attributes {stable_mosaic.version = 14 : i64} {
  func.func @_phi_kernel(%arg0: i32, %arg1: memref<512x1024xf32, #tpu.memory_space<vmem>>, %arg2: memref<2x1024x1024xf32, #tpu.memory_space<vmem>>, %arg3: memref<2x1x1024xf32, #tpu.memory_space<vmem>>, %arg4: memref<512x1024xf32, #tpu.memory_space<vmem>>, %arg5: memref<512x1xf32, #tpu.memory_space<vmem>>) attributes {dimension_semantics = [#tpu.dimension_semantics<arbitrary>], iteration_bounds = array<i64: 8>, scalar_prefetch = 0 : i64, scratch_operands = 0 : i64, tpu.core_type = #tpu.core_type<tc>, window_params = [{transform_indices = @transform_0, window_bounds = array<i64: 512, 1024>}, {pipeline_mode = #tpu.pipeline_mode<synchronous>, transform_indices = @transform_1, window_bounds = array<i64: 2, 1024, 1024>}, {pipeline_mode = #tpu.pipeline_mode<synchronous>, transform_indices = @transform_2, window_bounds = array<i64: 2, 1, 1024>}, {transform_indices = @transform_3, window_bounds = array<i64: 512, 1024>}, {transform_indices = @transform_4, window_bounds = array<i64: 512, 1>}]} {
    %get3A = arith.constant 0 : index
    %get3A_0 = arith.constant 0 : index
    %get3A_1 = vector.load %arg1[%get3A, %get3A_0] : memref<512x1024xf32, #tpu.memory_space<vmem>>, vector<512x1024xf32>
    %get3A_2 = arith.constant 0 : index
    %get3A_3 = arith.constant 0 : index
    %get3A_4 = arith.constant 0 : index
    %get3A_5 = vector.load %arg2[%get3A_2, %get3A_3, %get3A_4] : memref<2x1024x1024xf32, #tpu.memory_space<vmem>>, vector<1x1024x1024xf32>
    %get3A_6 = vector.shape_cast %get3A_5 : vector<1x1024x1024xf32> to vector<1024x1024xf32>
    %dot_general3A = arith.constant dense<0.000000e+00> : vector<512x1024xf32>
    %dot_general3A_7 = tpu.matmul %get3A_1, %get3A_6, %dot_general3A {dimension_numbers = #tpu.dot_dimension_numbers<[1], [0], [0], [1], [0, 0, 1, 1], [], []>, transpose_lhs_hint = false} : vector<512x1024xf32>, vector<1024x1024xf32>, vector<512x1024xf32> -> vector<512x1024xf32>
    %get3A_8 = arith.constant 0 : index
    %get3A_9 = arith.constant 0 : index
    %get3A_10 = arith.constant 0 : index
    %get3A_11 = vector.load %arg3[%get3A_8, %get3A_9, %get3A_10] : memref<2x1x1024xf32, #tpu.memory_space<vmem>>, vector<1x1x1024xf32>
    %get3A_12 = vector.shape_cast %get3A_11 : vector<1x1x1024xf32> to vector<1x1024xf32>
    %add3A = vector.broadcast %get3A_12 : vector<1x1024xf32> to vector<512x1024xf32>
    %add3A_13 = arith.addf %dot_general3A_7, %add3A : vector<512x1024xf32>
    %max3A = arith.constant 0.000000e+00 : f32
    %max3A_14 = vector.broadcast %max3A : f32 to vector<512x1024xf32>
    %max3A_15 = arith.maximumf %add3A_13, %max3A_14 : vector<512x1024xf32>
    %get3A_16 = arith.constant 1 : index
    %get3A_17 = arith.constant 0 : index
    %get3A_18 = arith.constant 0 : index
    %get3A_19 = vector.load %arg2[%get3A_16, %get3A_17, %get3A_18] : memref<2x1024x1024xf32, #tpu.memory_space<vmem>>, vector<1x1024x1024xf32>
    %get3A_20 = vector.shape_cast %get3A_19 : vector<1x1024x1024xf32> to vector<1024x1024xf32>
    %dot_general3A_21 = arith.constant dense<0.000000e+00> : vector<512x1024xf32>
    %dot_general3A_22 = tpu.matmul %max3A_15, %get3A_20, %dot_general3A_21 {dimension_numbers = #tpu.dot_dimension_numbers<[1], [0], [0], [1], [0, 0, 1, 1], [], []>, transpose_lhs_hint = false} : vector<512x1024xf32>, vector<1024x1024xf32>, vector<512x1024xf32> -> vector<512x1024xf32>
    %get3A_23 = arith.constant 1 : index
    %get3A_24 = arith.constant 0 : index
    %get3A_25 = arith.constant 0 : index
    %get3A_26 = vector.load %arg3[%get3A_23, %get3A_24, %get3A_25] : memref<2x1x1024xf32, #tpu.memory_space<vmem>>, vector<1x1x1024xf32>
    %get3A_27 = vector.shape_cast %get3A_26 : vector<1x1x1024xf32> to vector<1x1024xf32>
    %add3A_28 = vector.broadcast %get3A_27 : vector<1x1024xf32> to vector<512x1024xf32>
    %add3A_29 = arith.addf %dot_general3A_22, %add3A_28 : vector<512x1024xf32>
    %max3A_30 = arith.constant 0.000000e+00 : f32
    %max3A_31 = vector.broadcast %max3A_30 : f32 to vector<512x1024xf32>
    %max3A_32 = arith.maximumf %add3A_29, %max3A_31 : vector<512x1024xf32>
    %swap3A = arith.constant 0 : index
    %swap3A_33 = arith.constant 0 : index
    %swap3A_34 = vector.load %arg4[%swap3A, %swap3A_33] : memref<512x1024xf32, #tpu.memory_space<vmem>>, vector<512x1024xf32>
    tpu.vector_store %arg4[%swap3A, %swap3A_33], %max3A_32 {strides = array<i32>} : memref<512x1024xf32, #tpu.memory_space<vmem>>, vector<512x1024xf32>,
    %broadcast_in_dim3A = arith.constant 1.000000e+00 : f32
    %broadcast_in_dim3A_35 = vector.broadcast %broadcast_in_dim3A : f32 to vector<512x1xf32>
    %swap3A_36 = arith.constant 0 : index
    %swap3A_37 = arith.constant 0 : index
    %swap3A_38 = vector.load %arg5[%swap3A_36, %swap3A_37] : memref<512x1xf32, #tpu.memory_space<vmem>>, vector<512x1xf32>
    tpu.vector_store %arg5[%swap3A_36, %swap3A_37], %broadcast_in_dim3A_35 {strides = array<i32>} : memref<512x1xf32, #tpu.memory_space<vmem>>, vector<512x1xf32>,
    return
  }
  func.func @transform_0(%arg0: i32) -> (i32, i32) {
    %c0_i32 = arith.constant 0 : i32
    %c0_i32_0 = arith.constant 0 : i32
    return %arg0, %c0_i32 : i32, i32
  }
  func.func @transform_1(%arg0: i32) -> (i32, i32, i32) {
    %c0_i32 = arith.constant 0 : i32
    %c0_i32_0 = arith.constant 0 : i32
    %c0_i32_1 = arith.constant 0 : i32
    %c0_i32_2 = arith.constant 0 : i32
    return %c0_i32, %c0_i32_0, %c0_i32_1 : i32, i32, i32
  }
  func.func @transform_2(%arg0: i32) -> (i32, i32, i32) {
    %c0_i32 = arith.constant 0 : i32
    %c0_i32_0 = arith.constant 0 : i32
    %c0_i32_1 = arith.constant 0 : i32
    %c0_i32_2 = arith.constant 0 : i32
    return %c0_i32, %c0_i32_0, %c0_i32_1 : i32, i32, i32
  }
  func.func @transform_3(%arg0: i32) -> (i32, i32) {
    %c0_i32 = arith.constant 0 : i32
    %c0_i32_0 = arith.constant 0 : i32
    return %arg0, %c0_i32 : i32, i32
  }
  func.func @transform_4(%arg0: i32) -> (i32, i32) {
    %c0_i32 = arith.constant 0 : i32
    %c0_i32_0 = arith.constant 0 : i32
    return %arg0, %c0_i32 : i32, i32
  }
}

</mosaic_0001>

<sc_bundles>
// kernel: kernel.6.cloned.1.call-start
scs
__scs_entry_jumppad:
0x0: {  	(pc) =	sbr.rel $0x88, $3  }
0x1: {  	(tag) =	ssettag $0x0;
	lr =	simm.s32 $0x1  }
0x2: {  	[smem:$0x3F99] =	sst lr;
	_ =	strace $0xD0000000  }
0x3: {  	_ = 	snop  }
0x4: {  	_ = 	snop  }
0x5: {  	_ = 	snop  }
0x6: {  	_ = 	snop  }
0x7: {  	_ = 	snop  }
__scs_overlays_trampoline_lowered:
0x8: {  	[smem:$0x3FA8] =	sst s0  }
0x9: {  	[smem:$0x3FA9] =	sst s1  }
0xa: {  	[smem:$0x3FAA] =	sst s2  }
0xb: {  	[smem:$0x3FAB] =	sst s3  }
0xc: {  	[smem:$0x3FAC] =	sst s4  }
0xd: {  	[smem:$0x3FAD] =	sst s5  }
0xe: {  	[smem:$0x3FAE] =	sst s6  }
0xf: {  	[smem:$0x3FAF] =	sst s7  }
0x10: {  	[smem:$0x3FB0] =	sst s8  }
0x11: {  	[smem:$0x3FB1] =	sst s9;
	s0 =	simm.s32 @!p0 $0x0  }
0x12: {  	s1 =	sld [smem:$0x3F97];
	s0 =	simm.s32 @p0 $0x1  }
0x13: {  	[smem:$0x3FB2] =	sst s0;
	s0 =	simm.s32 @!p1 $0x0  }
0x14: {  	s2 =	sld [smem:$0x3F96];
	s0 =	simm.s32 @p1 $0x1  }
0x15: {  	[smem:$0x3FB3] =	sst s0;
	s0 =	simm.s32 @!p2 $0x0  }
0x16: {  	s3 =	sld [smem:$0x3FDB];
	s0 =	simm.s32 @p2 $0x1  }
0x17: {  	s4 =	simm.s32 $0x1BF5;
	[smem:$0x3FB5] =	sst s0  }
0x18: {  	s0 =	sld [smem:$0x3F98];
	_ =	swait.ge [sflag:s4], $0x0  }
0x19: {  	s7 =	sld [smem:$0x3F99]  }
0x1a: {  	s8 =	sadd.s32 $0xFFFFE003, lr  }
0x1b: {  	s9 =	sadd.s32 $0xFFFFFEF7, lr;
	s5 =	simm.s32 $0xFFFFFFFF;
	p2 =	slt.u32 s8, $0xFFFFF086  }
0x1c: {  	p1 =	slt.u32 s9, $0xF7A;
	s5 =	simm.s32 @!p2 $0x0  }
0x1d: {  	s5 =	simm.s32 @p1 $0x1;
	p0 =	seq.s32 s7, s2  }
0x1e: {  	s7 =	smul.u32 @!p0 $0xF7A, s2;
	p2 =	seq.s32 @!p0 s5, $0x0  }
0x1f: {  	s9 =	smul.u32 $0xF7A, s1;
	s8 =	simm.s32 @!p0 $0x1BF5;
	p2 =	por !p2, p0  }
0x20: {  	[sflag:s8] =	ssyncset.s32 @!p0 $0xFFFFF086;
	s6 =	sadd.s32 @!p0 s3, s7;
	s7 =	simm.s32 @!p0 $0x108  }
0x21: {  	s3 =	sadd.s32 s3, s9;
	s6 =	sadd.s32 @!p0 $0x88, s6;
	s7 =	simm.s32 @p2 $0x1082  }
0x22: {  	[simem:s7], [sflag:s8] =	dma.local @!p0 [hbm:s6], $0xF7A  }
0x23: {  	s9 =	sor.u32 $0xD0000000, s2;
	s6 =	simm.s32 $0x108;
	_ =	swait.ge @!p0 [sflag:s8], $0x0  }
0x24: {  	s3 =	sadd.s32 $0x88, s3;
	s6 =	simm.s32 @!p1 $0x1082;
	[sflag:s4] =	ssyncset.s32 $0xFFFFF086  }
0x25: {  	[simem:s6], [sflag:s4] =	dma.local [hbm:s3], $0xF7A  }
0x26: {  	[smem:$0x3F99] =	sst s1;
	(tag) =	ssettag s2;
	_ =	strace s9  }
0x27: {  	s1 =	sld [smem:$0x3FA9]  }
0x28: {  	s2 =	sld [smem:$0x3FAA]  }
0x29: {  	s4 =	sld [smem:$0x3FAC]  }
0x2a: {  	p0 =	seq.s32 s5, $0x0;
	s5 =	sld [smem:$0x3FAD]  }
0x2b: {  	s6 =	sld [smem:$0x3FAE]  }
0x2c: {  	s7 =	sld [smem:$0x3FAF]  }
0x2d: {  	s3 =	simm.s32 $0x108;
	s8 =	sld [smem:$0x3FB0]  }
0x2e: {  	s3 =	simm.s32 @!p0 $0x1082;
	s9 =	sld [smem:$0x3FB1]  }
0x2f: {  	lr =	sadd.s32 s0, s3;
	s0 =	sld [smem:$0x3FA8]  }
0x30: {  	s3 =	sld [smem:$0x3FAB]  }
0x31: {  	[smem:$0x3FB4] =	sst s10  }
0x32: {  	s10 =	sld [smem:$0x3FB2];
	_ =	sdelay $0x3  }
0x33: {  	p0 =	seq.s32 s10, $0x1;
	s10 =	sld [smem:$0x3FB4];
	_ =	sdelay $0x3  }
0x34: {  	[smem:$0x3FB4] =	sst s10  }
0x35: {  	s10 =	sld [smem:$0x3FB3];
	_ =	sdelay $0x3  }
0x36: {  	p1 =	seq.s32 s10, $0x1;
	s10 =	sld [smem:$0x3FB4];
	_ =	sdelay $0x3  }
0x37: {  	[smem:$0x3FB4] =	sst s10  }
0x38: {  	s10 =	sld [smem:$0x3FB5]  }
0x39: {  	_ = 	snop;
	(pc) =	sbr.ind lr, $3  }
0x3a: {  	_ = 	snop  }
0x3b: {  	_ = 	snop  }
0x3c: {  	p2 =	seq.s32 s10, $0x1;
	s10 =	sld [smem:$0x3FB4]  }
0x3d: {  	_ =	shalt  }
0x3e: {  	_ =	shalt  }
0x3f: {  	_ =	shalt  }
0x40: {  	_ =	shalt  }
0x41: {  	_ =	shalt  }
0x42: {  	_ =	shalt  }
0x43: {  	_ =	shalt  }
0x44: {  	_ =	shalt  }
0x45: {  	_ =	shalt  }
0x46: {  	_ =	shalt  }
0x47: {  	_ =	shalt  }
0x48: {  	_ =	shalt  }
0x49: {  	_ =	shalt  }
0x4a: {  	_ =	shalt  }
0x4b: {  	_ =	shalt  }
0x4c: {  	_ =	shalt  }
0x4d: {  	_ =	shalt  }
0x4e: {  	_ =	shalt  }
0x4f: {  	_ =	shalt  }
0x50: {  	_ =	shalt  }
0x51: {  	_ =	shalt  }
0x52: {  	_ =	shalt  }
0x53: {  	_ =	shalt  }
0x54: {  	_ =	shalt  }
0x55: {  	_ =	shalt  }
0x56: {  	_ =	shalt  }
0x57: {  	_ =	shalt  }
0x58: {  	_ =	shalt  }
0x59: {  	_ =	shalt  }
0x5a: {  	_ =	shalt  }
0x5b: {  	_ =	shalt  }
0x5c: {  	_ =	shalt  }
0x5d: {  	_ =	shalt  }
0x5e: {  	_ =	shalt  }
0x5f: {  	_ =	shalt  }
0x60: {  	_ =	shalt  }
0x61: {  	_ =	shalt  }
0x62: {  	_ =	shalt  }
0x63: {  	_ =	shalt  }
0x64: {  	_ =	shalt  }
0x65: {  	_ =	shalt  }
0x66: {  	_ =	shalt  }
0x67: {  	_ =	shalt  }
0x68: {  	_ =	shalt  }
0x69: {  	_ =	shalt  }
0x6a: {  	_ =	shalt  }
0x6b: {  	_ =	shalt  }
0x6c: {  	_ =	shalt  }
0x6d: {  	_ =	shalt  }
0x6e: {  	_ =	shalt  }
0x6f: {  	_ =	shalt  }
0x70: {  	_ =	shalt  }
0x71: {  	_ =	shalt  }
0x72: {  	_ =	shalt  }
0x73: {  	_ =	shalt  }
0x74: {  	_ =	shalt  }
0x75: {  	_ =	shalt  }
0x76: {  	_ =	shalt  }
0x77: {  	_ =	shalt  }
0x78: {  	_ =	shalt  }
0x79: {  	_ =	shalt  }
0x7a: {  	_ =	shalt  }
0x7b: {  	_ =	shalt  }
0x7c: {  	_ =	shalt  }
0x7d: {  	_ =	shalt  }
0x7e: {  	_ =	shalt  }
0x7f: {  	_ =	shalt  }
0x80: {  	_ =	shalt  }
0x81: {  	_ =	shalt  }
0x82: {  	_ =	shalt  }
0x83: {  	_ =	shalt  }
0x84: {  	_ =	shalt  }
0x85: {  	_ =	shalt  }
0x86: {  	_ =	shalt  }
0x87: {  	_ =	shalt  }
.Lfunc_end0:
.L_simem_size_0:
called_computation_lowered:
.L_overlay_start_0:
0x88: {  	s2 =	sld [smem:$0x3FD9]  }
0x89: {  	s3 =	sld [smem:$0x3FFE];
	_ =	sdelay $0x1  }
0x8a: {  	s1 =	srdreg.scid  }
0x8b: {  	s0 =	sand.u32 $0x1, s1  }
0x8c: {  	s14 =	sshll.u32 s0, $0xA;
	s2 =	sadd.s32 s3, s2  }
0x8d: {  	s2 =	sadd.s32 s2, s14  }
0x8e: {  	[smem:$0x3FC0] =	sst s2  }
0x8f: {  	_ = 	snop  }
0x90: {  	s2 =	sld [smem:$0x3FD0];
	_ =	sdelay $0x2  }
0x91: {  	s4 =	simm.s32 $0xA;
	s5 =	simm.s32 $0x10;
	s15 =	sld [smem:$0x3FC8]  }
0x92: {  	[smem:s5], [sflag:s4] =	dma.local [hbm:s2], $0x1  }
0x93: {  	_ =	swait.eq [sflag:s4], $0x1  }
0x94: {  	[sflag:s4] =	ssyncset.done $0x0  }
0x95: {  	[sflag:s4] =	ssyncadd.s32 $0xFFFFFFFF  }
0x96: {  	s16 =	sld [smem:$0x10];
	(tm) =	ssettm $0x1  }
0x97: {  	s17 =	sld [smem:$0x3FFB];
	_ =	sdelay $0x3  }
0x98: {  	_ =	strace s17  }
0x99: {  	s4 =	sld [smem:$0x3FFC];
	_ =	sdelay $0x3  }
0x9a: {  	_ =	strace s4  }
0x9b: {  	s4 =	sld [smem:$0x3FFD];
	_ =	sdelay $0x3  }
0x9c: {  	_ =	strace s4  }
0x9d: {  	_ =	strace $0x8FFFFFFF  }
0x9e: {  	s18 =	sld [smem:$0x3FDB];
	_ =	sdelay $0x1  }
0x9f: {  	s19 =	simm.s32 $_scs_section_size  }
0xa0: {  	s6 =	simm.s32 $_size__tile_overlayer_lowered;
	s7 =	simm.s32 $_tile_overlayer_lowered  }
0xa1: {  	s22 =	simm.s32 $0x1BFF;
	s21 =	sshll.u32 s7, $0x1;
	s4 =	sadd.s32 s19, s18  }
0xa2: {  	s8 =	simm.s32 $0x0;
	s20 =	sshll.u32 s6, $0x1;
	s6 =	sadd.s32 s21, s4  }
0xa3: {  	[timem:s8], [sflag:s22] =	dma.local [hbm:s6], s20  }
0xa4: {  	_ =	swait.ge [sflag:s22], s20  }
0xa5: {  	s5 =	ssub.s32 $0x0, s20;
	[sflag:s22] =	ssyncset.done $0x0  }
0xa6: {  	[sflag:s22] =	ssyncadd.s32 s5;
	_ =	sdelay $0x1  }
0xa7: {  	s23 =	simm.s32 $0x1B8B  }
0xa8: {  	_ =	swait.ge [sflag:s23], $0x1  }
0xa9: {  	[sflag:s23] =	ssyncset.done $0x0  }
0xaa: {  	s25 =	simm.s32 $0x1B8E;
	s24 =	sld [smem:$0x3FFE];
	[sflag:s23] =	ssyncadd.s32 $0xFFFFFFFF  }
0xab: {  	s26 =	simm.s32 $execute0_lowered;
	[smem:$0x3FD2] =	sst s25  }
0xac: {  	s6 =	sshll.u32 s26, $0x1;
	_ =	strace $0x80000046;
	[dreg:$0x1] =	wrdreg $0xFFFFFFFF  }
0xad: {  	s28 =	simm.s32 $_size_execute0_lowered;
	s4 =	sadd.s32 s4, s6;
	[dreg:$0x0] =	wrdreg $0x0  }
0xae: {  	s6 =	sshll.u32 s28, $0x1;
	[dreg:$0x2] =	wrdreg s4  }
0xaf: {  	[dreg:$0x3] =	wrdreg s6  }
0xb0: {  	[dreg:$0x4] =	wrdreg $0xC0  }
0xb1: {  	_ =	task [dreg:s8], $0x5FFFF  }
0xb2: {  	[dreg:$0x1] =	wrdreg $0xFFFFFFFF  }
0xb3: {  	[dreg:$0x0] =	wrdreg $0x60  }
0xb4: {  	[dreg:$0x2] =	wrdreg s15  }
0xb5: {  	[dreg:$0x3] =	wrdreg s24  }
0xb6: {  	[dreg:$0x4] =	wrdreg s16  }
0xb7: {  	[dreg:$0x5] =	wrdreg $0x9  }
0xb8: {  	_ =	task.clear_ibuf [dreg:s8], $0x6FFFF;
	_ =	strace $0x90000046  }
0xb9: {  	s29 =	simm.s32 $0x9;
	_ =	strace $0x80000048  }
0xba: {  	_ =	swait.ge [sflag:s29], $0x1  }
0xbb: {  	[sflag:s29] =	ssyncadd.s32 $0xFFFFFFFF  }
0xbc: {  	_ =	strace $0x90000048  }
0xbd: {  	_ =	sfence  }
0xbe: {  	s30 =	sld [smem:$0x0];
	_ =	sdelay $0x2  }
0xbf: {  	s31 =	sshll.u32 s1, $0xD;
	s1 =	sshrl.u32 s1, $0x2  }
0xc0: {  	s3 =	sand.u32 $0x4000, s31;
	s1 =	sadd.s32 s1, s30  }
0xc1: {  	s0 =	sor.u32 s3, s0;
	s1 =	sshll.u32 s1, $0x11  }
0xc2: {  	s0 =	sor.u32 s1, s0  }
0xc3: {  	s0 =	sadd.s32 $0x8F2B, s0  }
0xc4: {  	[sflag:s0] =	ssyncadd.remote.s32 $0x1  }
0xc5: {  	_ =	sfence.sel $0xFFFF  }
0xc6: {  	[dreg:$0x0] =	wrdreg $0xFFFFFFFF;
	(pc) =	sbr.abs _section_cstart, $3  }
0xc7: {  	[dreg:$0x1] =	wrdreg $0xFFFFFFFF  }
0xc8: {  	_ =	task.clear_ibuf [dreg:s8], $0x2FFFF;
	_ =	strace $0x9FFFFFFF  }
0xc9: {  	(tm) =	ssettm $0x7FFFFFFF  }
tec
execute0_lowered:
.L_overlay_start_1:
0x0: {  	(tag) =	ssettag $0x1  }
0x1: {  	s0 =	srdreg.scid  }
0x2: {  	s5 =	sand.u32 $0x1, s0;
	s0 =	stileid.u32  }
0x3: {  	s6 =	sshll.u32 s5, $0x4;
	s7 =	ssub.s32 $0x0, s0  }
0x4: {  	p0 =	sne.s32 s6, s7  }
.Ltmp0:
0x5: {  	_ = 	snop;
	(pc) =	sbr.rel @p0 .LBB2_9-.Ltmp0, $4  }
0x6: {  	s1 =	rddreg [dreg:$0x0]  }
0x7: {  	s4 =	rddreg [dreg:$0x1]  }
0x8: {  	s3 =	rddreg [dreg:$0x2]  }
0x9: {  	s2 =	rddreg [dreg:$0x3];
	_ =	strace $0x80000047  }
0xa: {  	s5 =	ssub.s32 $0x2, s5  }
0xb: {  	s4 =	sadd.s32 $0x1A00, s4;
	s7 =	simm.s32 $0x1;
	s6 =	sshrl.u32 s5, $0x1  }
0xc: {  	s8 =	simm.s32 $0x1000;
	s9 =	simm.s32 $0x2100;
	s5 =	ssub.s32 s5, s6  }
0xd: {  	v0 =	vimm.s32 $0x0;
	v1 =	vlaneseq.u32;
	s10 =	simm.s32 $0x0;
	s6 =	simm.s32 $0x0;
	s5 =	smax.u32 s5, $0x1  }
.LBB2_2:
0xe: {  	[tilespmem:s6], [sflag:$0x1] =	stream.linear.gather [hbm4b:s1+s6], $0x1000, $0x38;
	[tilespmem:$0x2180] =	vst v63  }
0xf: {  	_ =	swait.ge [sflag:s7], $0x1000  }
0x10: {  	[sflag:s7] =	ssyncset.done $0x0  }
0x11: {  	s12 =	simm.s32 $0x0;
	[sflag:s7] =	ssyncadd.s32 $0xFFFFF000  }
0x12: {  	v3 =	vld [tilespmem:s12+$0x0]  }
0x13: {  	s11 =	simm.s32 $0x40;
	v2 =	vimm.s32 $0x0  }
.LBB2_3:
0x14: {  	p0 =	sne.s32 s11, $0x3FC0  }
.Ltmp1:
0x15: {  	_ = 	snop;
	(pc) =	sbr.rel @p0 .LBB2_3-.Ltmp1, $4  }
0x16: {  	_ = 	snop  }
0x17: {  	s12 =	sshra.s32 s11, $0x2;
	s11 =	sadd.s32 $0x40, s11;
	vm0 =	veq.s32 v3, $0x0  }
0x18: {  	v3 =	vld [tilespmem:s12+$0x0];
	v4 =	vsel vm0, $0x1, v0  }
0x19: {  	v2 =	vadd.s32 v4, v2  }
0x1a: {  	_ =	sdelay $0x1  }
0x1b: {  	s11 =	simm.s32 $0x0  }
0x1c: {  	vm0 =	veq.s32 v3, $0x0;
	v3 =	vor.u32 s11, v1  }
0x1d: {  	s11 =	simm.s32 $0x1000;
	v4 =	vsel vm0, $0x1, v0;
	v3 =	vand.u32 $0xFFF, v3  }
0x1e: {  	s12 =	simm.s32 $0x10;
	v2 =	vadd.s32 v4, v2;
	[tilespmem:s11+$0x0] =	vst v3  }
.LBB2_5:
0x1f: {  	p0 =	sne.s32 s12, $0x10F0  }
.Ltmp2:
0x20: {  	_ = 	snop;
	(pc) =	sbr.rel @p0 .LBB2_5-.Ltmp2, $4  }
0x21: {  	_ = 	snop  }
0x22: {  	v3 =	vor.u32 s12, v1;
	s12 =	sadd.s32 $0x10, s12  }
0x23: {  	s11 =	sadd.s32 $0x10, s11;
	v3 =	vand.u32 $0xFFF, v3  }
0x24: {  	[tilespmem:s11+$0x0] =	vst v3  }
0x25: {  	(xrf0) =	vadd.scan.msk.s32 $0xffff, v2;
	_ =	sdelay $0x5  }
0x26: {  	v2, _, _ =	vpop (xrf0)  }
0x27: {  	(v2sf) =	vpush v2, $0xF;
	_ =	sdelay $0x8  }
0x28: {  	s12 =	simm.s32 $0x0  }
0x29: {  	v3 =	vld [tilespmem:s12+$0x0];
	_ =	sdelay $0x4  }
0x2a: {  	vm0 =	veq.s32 v3, $0x0;
	s11 =	spop (v2sf)  }
0x2b: {  	vm1 =	vne.s32 v3, $0x0;
	v3 =	vsel vm0, $0x1, v0;
	s11 =	sadd.s32 $0xFF, s11  }
0x2c: {  	v4 =	vsel vm1, $0x1, v0;
	(xrf0) =	vadd.scan.msk.s32 $0xffff, v3;
	s13 =	sand.u32 $0xFF, s11  }
0x2d: {  	(xrf0) =	vadd.scan.msk.s32 $0xffff, v4;
	s14 =	sshra.s32 s11, $0x1F;
	p0 =	slt.s32 s11, $0x1;
	p1 =	sne.s32 s13, $0x0  }
0x2e: {  	s30 =	sshrl.u32 s14, $0x18;
	p0 =	por !p0, !p1  }
0x2f: {  	s13 =	simm.s32 $0x1;
	s11 =	sadd.s32 s30, s11;
	p0 =	por !p0, !p0  }
0x30: {  	s11 =	sshrl.u32 s11, $0x8;
	s13 =	simm.s32 @!p0 $0x0  }
0x31: {  	s11 =	ssub.s32 s11, s13  }
0x32: {  	v3, _, _ =	vpop (xrf0);
	s11 =	sshll.u32 s11, $0x8  }
0x33: {  	v4, _, _ =	vpop (xrf0);
	(v2sf) =	vpush v3, $0xF;
	s31 =	sadd.s32 $0x0, s11  }
0x34: {  	v3 =	vadd.s32 s12, v3;
	v4 =	vadd.s32 s31, v4  }
0x35: {  	v3 =	vsel vm0, v3, v4  }
0x36: {  	v3 =	vadd.s32 $0xFFFFFFFF, v3;
	_ =	sdelay $0x3  }
0x37: {  	v4 =	vor.u32 s12, v1  }
0x38: {  	s12 =	simm.s32 $0x10;
	[tilespmem:v3+s8+$0x0] =	vst.idx.msk $0xffff, v4  }
0x39: {  	v3 =	vld [tilespmem:s12+$0x0];
	_ =	sdelay $0x4  }
0x3a: {  	vm0 =	veq.s32 v3, $0x0  }
0x3b: {  	s14 =	simm.s32 $0x20;
	s15 =	spop (v2sf);
	vm1 =	vne.s32 v3, $0x0;
	v4 =	vsel vm0, $0x1, v0  }
0x3c: {  	s13 =	sadd.s32 $0x0, s15;
	s16 =	ssub.s32 $0x0, s15;
	s15 =	simm.s32 $0x10;
	v3 =	vsel vm1, $0x1, v0;
	(xrf0) =	vadd.scan.msk.s32 $0xffff, v4  }
.LBB2_7:
0x3d: {  	p0 =	sne.s32 s14, $0xFF0  }
0x3e: {  	(xrf0) =	vadd.scan.msk.s32 $0xffff, v3;
	s16 =	sadd.s32 $0x10, s16;
	s17 =	smov.u32 s14;
	s14 =	sadd.s32 $0x10, s14  }
0x3f: {  	_ =	sdelay $0x3  }
0x40: {  	v3, _, _ =	vpop (xrf0)  }
0x41: {  	s18 =	sadd.s32 s11, s16;
	v4, _, _ =	vpop (xrf0);
	(v2sf) =	vpush v3, $0xF  }
0x42: {  	v3 =	vadd.s32 s13, v3;
	v4 =	vadd.s32 s18, v4  }
0x43: {  	v3 =	vsel vm0, v3, v4  }
0x44: {  	v3 =	vadd.s32 $0xFFFFFFFF, v3;
	_ =	sdelay $0x3  }
0x45: {  	v4 =	vor.u32 s12, v1;
	s12 =	smov.u32 s17  }
0x46: {  	s15 =	sadd.s32 $0x10, s15;
	[tilespmem:v3+s8+$0x0] =	vst.idx.msk $0xffff, v4  }
0x47: {  	v3 =	vld [tilespmem:s15+$0x0];
	_ =	sdelay $0x2  }
.Ltmp3:
0x48: {  	(pc) =	sbr.rel @p0 .LBB2_7-.Ltmp3, $4  }
0x49: {  	_ = 	snop  }
0x4a: {  	vm1 =	vne.s32 v3, $0x0;
	vm0 =	veq.s32 v3, $0x0  }
0x4b: {  	v4 =	vsel vm0, $0x1, v0;
	v3 =	vsel vm1, $0x1, v0;
	s17 =	spop (v2sf)  }
0x4c: {  	(xrf0) =	vadd.scan.msk.s32 $0xffff, v4;
	s13 =	sadd.s32 s13, s17;
	s16 =	ssub.s32 s16, s17  }
0x4d: {  	_ =	sdelay $0x4  }
0x4e: {  	v4, _, _ =	vpop (xrf0)  }
0x4f: {  	(xrf0) =	vadd.scan.msk.s32 $0xffff, v3;
	(v2sf) =	vpush v4, $0xF;
	_ =	sdelay $0x4  }
0x50: {  	s14 =	sadd.s32 $0x10, s16  }
0x51: {  	s11 =	sadd.s32 s11, s14;
	v3, _, _ =	vpop (xrf0)  }
0x52: {  	v4 =	vadd.s32 s13, v4;
	v3 =	vadd.s32 s11, v3  }
0x53: {  	v3 =	vsel vm0, v4, v3  }
0x54: {  	v3 =	vadd.s32 $0xFFFFFFFF, v3;
	_ =	sdelay $0x3  }
0x55: {  	v63 =	vor.u32 s12, v1;
	v2 =	vbroadcast v2, $0xF  }
0x56: {  	[tilespmem:v3+s8+$0x0] =	vst.idx.msk $0xffff, v63  }
0x57: {  	[tilespmem:$0x2100] =	vst v2;
	s31 =	spop (v2sf)  }
0x58: {  	[hbm4b:s4+s6] =	stream.linear.scatter [tilespmem:s8], [sflag:$0x1], $0x1100, $0x38;
	[tilespmem:$0x2180] =	vst v63  }
0x59: {  	s10 =	sadd.s32 $0x1, s10;
	_ =	swait.ge [sflag:s7], $0x1100  }
0x5a: {  	p0 =	sne.s32 s10, s5;
	[sflag:s7] =	ssyncset.done $0x0  }
.Ltmp4:
0x5b: {  	[sflag:s7] =	ssyncadd.s32 $0xFFFFEF00;
	(pc) =	sbr.rel @p0 .LBB2_2-.Ltmp4, $4  }
0x5c: {  	[hbm4b:s3+s6] =	stream.linear.scatter [tilespmem:s9], [sflag:$0x1], $0x80, $0x38;
	[tilespmem:$0x2180] =	vst v63  }
0x5d: {  	_ =	swait.ge [sflag:s7], $0x80  }
0x5e: {  	[sflag:s7] =	ssyncset.done $0x0  }
0x5f: {  	[sflag:s7] =	ssyncadd.s32 $0xFFFFFF80  }
.LBB2_9:
0x60: {  	_ =	sfence.sel $0x180000  }
0x61: {  	[bflag:$0x0] =	sbarrier.arrive $0xFFFF  }
0x62: {  	p0 =	sne.s32 s0, $0x0;
	_ =	strace $0x90000047  }
0x63: {  	s0 =	sadd.s32 @!p0 $0x100000, s2;
	[bflag:$0x2] =	sbarrier.arrive $0xFFFF  }
0x64: {  	[sflag:s0] =	ssyncadd.tile.s32 @!p0 $0x1;
	_ =	shalt  }
.Lfunc_end2:
_tile_overlayer_lowered:
.L_overlay_start_2:
0x65: {  	(tag) =	ssettag $0x2  }
0x66: {  	s0 =	rddreg [dreg:$0x0];
	s2 =	stileid.u32  }
0x67: {  	s1 =	rddreg [dreg:$0x1];
	p0 =	sne.s32 s2, $0x0  }
0x68: {  	s3 =	rddreg [dreg:$0x2];
	[bflag:$0x3] =	sbarrier.arrive $0xFFFF;
	s2 =	simm.s32 @!p0 $0x1C02  }
0x69: {  	[timem:s3], [sflag:s2] =	dma.local @!p0 [hbm:s0], s1  }
0x6a: {  	s0 =	simm.s32 @!p0 $0x2  }
0x6b: {  	_ =	swait.ge @!p0 [sflag:s0], s1  }
0x6c: {  	s1 =	ssub.s32 @!p0 $0x0, s1;
	[sflag:s0] =	ssyncset.done @!p0 $0x0  }
0x6d: {  	[sflag:s0] =	ssyncadd.s32 @!p0 s1  }
0x6e: {  	[bflag:$0x3] =	sbarrier.arrive $0xFFFF  }
0x6f: {  	_ =	shalt  }

// kernel: kernel.9.cloned.1.call-start
scs
__scs_entry_jumppad:
0x0: {  	(pc) =	sbr.rel $0x88, $3  }
0x1: {  	(tag) =	ssettag $0x0;
	lr =	simm.s32 $0x1  }
0x2: {  	[smem:$0x3F99] =	sst lr;
	_ =	strace $0xD0000000  }
0x3: {  	_ = 	snop  }
0x4: {  	_ = 	snop  }
0x5: {  	_ = 	snop  }
0x6: {  	_ = 	snop  }
0x7: {  	_ = 	snop  }
__scs_overlays_trampoline_lowered:
0x8: {  	[smem:$0x3FA8] =	sst s0  }
0x9: {  	[smem:$0x3FA9] =	sst s1  }
0xa: {  	[smem:$0x3FAA] =	sst s2  }
0xb: {  	[smem:$0x3FAB] =	sst s3  }
0xc: {  	[smem:$0x3FAC] =	sst s4  }
0xd: {  	[smem:$0x3FAD] =	sst s5  }
0xe: {  	[smem:$0x3FAE] =	sst s6  }
0xf: {  	[smem:$0x3FAF] =	sst s7  }
0x10: {  	[smem:$0x3FB0] =	sst s8  }
0x11: {  	[smem:$0x3FB1] =	sst s9;
	s0 =	simm.s32 @!p0 $0x0  }
0x12: {  	s1 =	sld [smem:$0x3F97];
	s0 =	simm.s32 @p0 $0x1  }
0x13: {  	[smem:$0x3FB2] =	sst s0;
	s0 =	simm.s32 @!p1 $0x0  }
0x14: {  	s2 =	sld [smem:$0x3F96];
	s0 =	simm.s32 @p1 $0x1  }
0x15: {  	[smem:$0x3FB3] =	sst s0;
	s0 =	simm.s32 @!p2 $0x0  }
0x16: {  	s3 =	sld [smem:$0x3FDB];
	s0 =	simm.s32 @p2 $0x1  }
0x17: {  	s4 =	simm.s32 $0x1BF5;
	[smem:$0x3FB5] =	sst s0  }
0x18: {  	s0 =	sld [smem:$0x3F98];
	_ =	swait.ge [sflag:s4], $0x0  }
0x19: {  	s7 =	sld [smem:$0x3F99]  }
0x1a: {  	s8 =	sadd.s32 $0xFFFFE003, lr  }
0x1b: {  	s9 =	sadd.s32 $0xFFFFFEF7, lr;
	s5 =	simm.s32 $0xFFFFFFFF;
	p2 =	slt.u32 s8, $0xFFFFF086  }
0x1c: {  	p1 =	slt.u32 s9, $0xF7A;
	s5 =	simm.s32 @!p2 $0x0  }
0x1d: {  	s5 =	simm.s32 @p1 $0x1;
	p0 =	seq.s32 s7, s2  }
0x1e: {  	s7 =	smul.u32 @!p0 $0xF7A, s2;
	p2 =	seq.s32 @!p0 s5, $0x0  }
0x1f: {  	s9 =	smul.u32 $0xF7A, s1;
	s8 =	simm.s32 @!p0 $0x1BF5;
	p2 =	por !p2, p0  }
0x20: {  	[sflag:s8] =	ssyncset.s32 @!p0 $0xFFFFF086;
	s6 =	sadd.s32 @!p0 s3, s7;
	s7 =	simm.s32 @!p0 $0x108  }
0x21: {  	s3 =	sadd.s32 s3, s9;
	s6 =	sadd.s32 @!p0 $0x88, s6;
	s7 =	simm.s32 @p2 $0x1082  }
0x22: {  	[simem:s7], [sflag:s8] =	dma.local @!p0 [hbm:s6], $0xF7A  }
0x23: {  	s9 =	sor.u32 $0xD0000000, s2;
	s6 =	simm.s32 $0x108;
	_ =	swait.ge @!p0 [sflag:s8], $0x0  }
0x24: {  	s3 =	sadd.s32 $0x88, s3;
	s6 =	simm.s32 @!p1 $0x1082;
	[sflag:s4] =	ssyncset.s32 $0xFFFFF086  }
0x25: {  	[simem:s6], [sflag:s4] =	dma.local [hbm:s3], $0xF7A  }
0x26: {  	[smem:$0x3F99] =	sst s1;
	(tag) =	ssettag s2;
	_ =	strace s9  }
0x27: {  	s1 =	sld [smem:$0x3FA9]  }
0x28: {  	s2 =	sld [smem:$0x3FAA]  }
0x29: {  	s4 =	sld [smem:$0x3FAC]  }
0x2a: {  	p0 =	seq.s32 s5, $0x0;
	s5 =	sld [smem:$0x3FAD]  }
0x2b: {  	s6 =	sld [smem:$0x3FAE]  }
0x2c: {  	s7 =	sld [smem:$0x3FAF]  }
0x2d: {  	s3 =	simm.s32 $0x108;
	s8 =	sld [smem:$0x3FB0]  }
0x2e: {  	s3 =	simm.s32 @!p0 $0x1082;
	s9 =	sld [smem:$0x3FB1]  }
0x2f: {  	lr =	sadd.s32 s0, s3;
	s0 =	sld [smem:$0x3FA8]  }
0x30: {  	s3 =	sld [smem:$0x3FAB]  }
0x31: {  	[smem:$0x3FB4] =	sst s10  }
0x32: {  	s10 =	sld [smem:$0x3FB2];
	_ =	sdelay $0x3  }
0x33: {  	p0 =	seq.s32 s10, $0x1;
	s10 =	sld [smem:$0x3FB4];
	_ =	sdelay $0x3  }
0x34: {  	[smem:$0x3FB4] =	sst s10  }
0x35: {  	s10 =	sld [smem:$0x3FB3];
	_ =	sdelay $0x3  }
0x36: {  	p1 =	seq.s32 s10, $0x1;
	s10 =	sld [smem:$0x3FB4];
	_ =	sdelay $0x3  }
0x37: {  	[smem:$0x3FB4] =	sst s10  }
0x38: {  	s10 =	sld [smem:$0x3FB5]  }
0x39: {  	_ = 	snop;
	(pc) =	sbr.ind lr, $3  }
0x3a: {  	_ = 	snop  }
0x3b: {  	_ = 	snop  }
0x3c: {  	p2 =	seq.s32 s10, $0x1;
	s10 =	sld [smem:$0x3FB4]  }
0x3d: {  	_ =	shalt  }
0x3e: {  	_ =	shalt  }
0x3f: {  	_ =	shalt  }
0x40: {  	_ =	shalt  }
0x41: {  	_ =	shalt  }
0x42: {  	_ =	shalt  }
0x43: {  	_ =	shalt  }
0x44: {  	_ =	shalt  }
0x45: {  	_ =	shalt  }
0x46: {  	_ =	shalt  }
0x47: {  	_ =	shalt  }
0x48: {  	_ =	shalt  }
0x49: {  	_ =	shalt  }
0x4a: {  	_ =	shalt  }
0x4b: {  	_ =	shalt  }
0x4c: {  	_ =	shalt  }
0x4d: {  	_ =	shalt  }
0x4e: {  	_ =	shalt  }
0x4f: {  	_ =	shalt  }
0x50: {  	_ =	shalt  }
0x51: {  	_ =	shalt  }
0x52: {  	_ =	shalt  }
0x53: {  	_ =	shalt  }
0x54: {  	_ =	shalt  }
0x55: {  	_ =	shalt  }
0x56: {  	_ =	shalt  }
0x57: {  	_ =	shalt  }
0x58: {  	_ =	shalt  }
0x59: {  	_ =	shalt  }
0x5a: {  	_ =	shalt  }
0x5b: {  	_ =	shalt  }
0x5c: {  	_ =	shalt  }
0x5d: {  	_ =	shalt  }
0x5e: {  	_ =	shalt  }
0x5f: {  	_ =	shalt  }
0x60: {  	_ =	shalt  }
0x61: {  	_ =	shalt  }
0x62: {  	_ =	shalt  }
0x63: {  	_ =	shalt  }
0x64: {  	_ =	shalt  }
0x65: {  	_ =	shalt  }
0x66: {  	_ =	shalt  }
0x67: {  	_ =	shalt  }
0x68: {  	_ =	shalt  }
0x69: {  	_ =	shalt  }
0x6a: {  	_ =	shalt  }
0x6b: {  	_ =	shalt  }
0x6c: {  	_ =	shalt  }
0x6d: {  	_ =	shalt  }
0x6e: {  	_ =	shalt  }
0x6f: {  	_ =	shalt  }
0x70: {  	_ =	shalt  }
0x71: {  	_ =	shalt  }
0x72: {  	_ =	shalt  }
0x73: {  	_ =	shalt  }
0x74: {  	_ =	shalt  }
0x75: {  	_ =	shalt  }
0x76: {  	_ =	shalt  }
0x77: {  	_ =	shalt  }
0x78: {  	_ =	shalt  }
0x79: {  	_ =	shalt  }
0x7a: {  	_ =	shalt  }
0x7b: {  	_ =	shalt  }
0x7c: {  	_ =	shalt  }
0x7d: {  	_ =	shalt  }
0x7e: {  	_ =	shalt  }
0x7f: {  	_ =	shalt  }
0x80: {  	_ =	shalt  }
0x81: {  	_ =	shalt  }
0x82: {  	_ =	shalt  }
0x83: {  	_ =	shalt  }
0x84: {  	_ =	shalt  }
0x85: {  	_ =	shalt  }
0x86: {  	_ =	shalt  }
0x87: {  	_ =	shalt  }
.Lfunc_end0:
.L_simem_size_0:
called_computation.1_lowered:
.L_overlay_start_0:
0x88: {  	s2 =	sld [smem:$0x3FD9]  }
0x89: {  	s3 =	sld [smem:$0x3FFE];
	_ =	sdelay $0x1  }
0x8a: {  	s1 =	srdreg.scid  }
0x8b: {  	s0 =	sand.u32 $0x1, s1  }
0x8c: {  	s14 =	sshll.u32 s0, $0xA;
	s2 =	sadd.s32 s3, s2  }
0x8d: {  	s2 =	sadd.s32 s2, s14  }
0x8e: {  	[smem:$0x3FC0] =	sst s2  }
0x8f: {  	_ = 	snop  }
0x90: {  	s2 =	sld [smem:$0x3FD0];
	_ =	sdelay $0x2  }
0x91: {  	s15 =	simm.s32 $0xA;
	s4 =	simm.s32 $0x10  }
0x92: {  	[smem:s4], [sflag:s15] =	dma.local [hbm:s2], $0x1  }
0x93: {  	_ =	swait.eq [sflag:s15], $0x1  }
0x94: {  	[sflag:s15] =	ssyncset.done $0x0  }
0x95: {  	[sflag:s15] =	ssyncadd.s32 $0xFFFFFFFF  }
0x96: {  	s16 =	sld [smem:$0x11];
	(tm) =	ssettm $0x1  }
0x97: {  	s17 =	sld [smem:$0x3FFB];
	_ =	sdelay $0x3  }
0x98: {  	_ =	strace s17  }
0x99: {  	s3 =	sld [smem:$0x3FFC];
	_ =	sdelay $0x3  }
0x9a: {  	_ =	strace s3  }
0x9b: {  	s3 =	sld [smem:$0x3FFD];
	_ =	sdelay $0x3  }
0x9c: {  	_ =	strace s3  }
0x9d: {  	_ =	strace $0x8FFFFFFF  }
0x9e: {  	s18 =	sld [smem:$0x3FDB];
	_ =	sdelay $0x1  }
0x9f: {  	s19 =	simm.s32 $_scs_section_size  }
0xa0: {  	s5 =	simm.s32 $_size__tile_overlayer_lowered;
	s6 =	simm.s32 $_tile_overlayer_lowered  }
0xa1: {  	s22 =	simm.s32 $0x1BFF;
	s21 =	sshll.u32 s6, $0x1;
	s3 =	sadd.s32 s19, s18  }
0xa2: {  	s7 =	simm.s32 $0x0;
	s20 =	sshll.u32 s5, $0x1;
	s5 =	sadd.s32 s21, s3  }
0xa3: {  	[timem:s7], [sflag:s22] =	dma.local [hbm:s5], s20  }
0xa4: {  	_ =	swait.ge [sflag:s22], s20  }
0xa5: {  	s4 =	ssub.s32 $0x0, s20;
	[sflag:s22] =	ssyncset.done $0x0  }
0xa6: {  	[sflag:s22] =	ssyncadd.s32 s4;
	_ =	sdelay $0x1  }
0xa7: {  	s23 =	simm.s32 $0x1B8B  }
0xa8: {  	_ =	swait.ge [sflag:s23], $0x1  }
0xa9: {  	[sflag:s23] =	ssyncset.done $0x0  }
0xaa: {  	s25 =	simm.s32 $0x1B8E;
	s24 =	sld [smem:$0x3FFE];
	[sflag:s23] =	ssyncadd.s32 $0xFFFFFFFF  }
0xab: {  	s26 =	simm.s32 $execute0_lowered;
	[smem:$0x3FD2] =	sst s25  }
0xac: {  	s5 =	sshll.u32 s26, $0x1;
	_ =	strace $0x80000049;
	[dreg:$0x1] =	wrdreg $0xFFFFFFFF  }
0xad: {  	s28 =	simm.s32 $_size_execute0_lowered;
	s3 =	sadd.s32 s3, s5;
	[dreg:$0x0] =	wrdreg $0x0  }
0xae: {  	s5 =	sshll.u32 s28, $0x1;
	[dreg:$0x2] =	wrdreg s3  }
0xaf: {  	[dreg:$0x3] =	wrdreg s5  }
0xb0: {  	[dreg:$0x4] =	wrdreg $0xC0  }
0xb1: {  	_ =	task [dreg:s7], $0x5FFFF  }
0xb2: {  	[dreg:$0x1] =	wrdreg $0xFFFFFFFF  }
0xb3: {  	[dreg:$0x0] =	wrdreg $0x60  }
0xb4: {  	[dreg:$0x2] =	wrdreg s16  }
0xb5: {  	[dreg:$0x3] =	wrdreg s24  }
0xb6: {  	[dreg:$0x4] =	wrdreg $0x9  }
0xb7: {  	_ =	task.clear_ibuf [dreg:s7], $0x5FFFF;
	_ =	strace $0x90000049  }
0xb8: {  	s29 =	simm.s32 $0x9;
	_ =	strace $0x8000004B  }
0xb9: {  	_ =	swait.ge [sflag:s29], $0x1  }
0xba: {  	[sflag:s29] =	ssyncadd.s32 $0xFFFFFFFF  }
0xbb: {  	_ =	strace $0x9000004B  }
0xbc: {  	_ =	sfence  }
0xbd: {  	s30 =	sld [smem:$0x0];
	_ =	sdelay $0x2  }
0xbe: {  	s31 =	sshll.u32 s1, $0xD;
	s1 =	sshrl.u32 s1, $0x2  }
0xbf: {  	s3 =	sand.u32 $0x4000, s31;
	s1 =	sadd.s32 s1, s30  }
0xc0: {  	s0 =	sor.u32 s3, s0;
	s1 =	sshll.u32 s1, $0x11  }
0xc1: {  	s0 =	sor.u32 s1, s0  }
0xc2: {  	s0 =	sadd.s32 $0x8F2B, s0  }
0xc3: {  	[sflag:s0] =	ssyncadd.remote.s32 $0x1  }
0xc4: {  	_ =	sfence.sel $0xFFFF  }
0xc5: {  	[dreg:$0x0] =	wrdreg $0xFFFFFFFF;
	(pc) =	sbr.abs _section_cstart, $3  }
0xc6: {  	[dreg:$0x1] =	wrdreg $0xFFFFFFFF  }
0xc7: {  	_ =	task.clear_ibuf [dreg:s7], $0x2FFFF;
	_ =	strace $0x9FFFFFFF  }
0xc8: {  	(tm) =	ssettm $0x7FFFFFFF  }
0xc9: {  	_ =	shalt  }
tec
execute0_lowered:
.L_overlay_start_1:
0x0: {  	(tag) =	ssettag $0x1  }
0x1: {  	s0 =	srdreg.scid  }
0x2: {  	s1 =	sand.u32 $0x1, s0  }
0x3: {  	s2 =	rddreg [dreg:$0x0];
	s8 =	stileid.u32;
	s3 =	sshll.u32 s1, $0x4  }
0x4: {  	s4 =	rddreg [dreg:$0x1];
	s5 =	sor.u32 s8, s3;
	s3 =	simm.s32 $0x0  }
0x5: {  	s11 =	simm.s32 $0x6100;
	[smem:$0x7FF] =	sst s3  }
0x6: {  	s12 =	simm.s32 $0x6900;
	_ =	strace $0x8000004A;
	[dreg:$0x8] =	wrdreg s11  }
0x7: {  	s13 =	simm.s32 $0x7100;
	[dreg:$0x9] =	wrdreg s12  }
0x8: {  	s14 =	simm.s32 $0x7900;
	[dreg:$0xa] =	wrdreg s13  }
0x9: {  	s15 =	simm.s32 $0x8100;
	[dreg:$0xb] =	wrdreg s14  }
0xa: {  	s16 =	simm.s32 $0x8900;
	[dreg:$0xc] =	wrdreg s15  }
0xb: {  	s17 =	simm.s32 $0x9100;
	[dreg:$0xd] =	wrdreg s16  }
0xc: {  	s18 =	simm.s32 $0x9900;
	[dreg:$0xe] =	wrdreg s17  }
0xd: {  	s19 =	simm.s32 $0xA900;
	[dreg:$0xf] =	wrdreg s18  }
0xe: {  	s20 =	simm.s32 $0xB100;
	[dreg:$0x10] =	wrdreg s19  }
0xf: {  	s21 =	simm.s32 $0xB900;
	[dreg:$0x11] =	wrdreg s20  }
0x10: {  	s22 =	simm.s32 $0xC100;
	[dreg:$0x12] =	wrdreg s21  }
0x11: {  	s23 =	simm.s32 $0xC900;
	s24 =	simm.s32 $0xD100;
	[dreg:$0x13] =	wrdreg s22  }
0x12: {  	s25 =	simm.s32 $0xD900;
	s26 =	simm.s32 $0xE100;
	[dreg:$0x14] =	wrdreg s23  }
0x13: {  	s28 =	simm.s32 $0x2;
	s29 =	simm.s32 $0x4;
	[dreg:$0x15] =	wrdreg s24  }
0x14: {  	s30 =	simm.s32 $0x3;
	s1 =	ssub.s32 $0x2, s1;
	[dreg:$0x16] =	wrdreg s25  }
0x15: {  	s0 =	simm.s32 $0xE900;
	s8 =	sshrl.u32 s1, $0x1;
	[dreg:$0x17] =	wrdreg s26  }
0x16: {  	s1 =	ssub.s32 s1, s8;
	s8 =	simm.s32 $0x12900;
	[dreg:$0x18] =	wrdreg s0  }
0x17: {  	s31 =	simm.s32 $0x5;
	s11 =	simm.s32 $0x11900;
	[smem:$0x7EF] =	sst s8  }
0x18: {  	s6 =	smul.u32 $0x11, s5;
	s12 =	simm.s32 $0x12100;
	[dreg:$0x1e] =	wrdreg s11  }
0x19: {  	s7 =	smul.u32 $0x22000, s5;
	s13 =	simm.s32 $0x13100;
	[dreg:$0x1f] =	wrdreg s12  }
0x1a: {  	s5 =	smul.u32 $0x4400, s5;
	s14 =	simm.s32 $0x13900;
	[smem:$0x7F0] =	sst s13  }
0x1b: {  	s8 =	simm.s32 $0x7;
	s15 =	simm.s32 $0x14900;
	[smem:$0x7F1] =	sst s14  }
0x1c: {  	s16 =	simm.s32 $0x15100;
	s17 =	simm.s32 $0x15900;
	[smem:$0x7F2] =	sst s15  }
0x1d: {  	s18 =	simm.s32 $0x16100;
	s19 =	simm.s32 $0x16900;
	[smem:$0x7F3] =	sst s16  }
0x1e: {  	s20 =	simm.s32 $0x17100;
	s21 =	simm.s32 $0x17900;
	[smem:$0x7F4] =	sst s17  }
0x1f: {  	s22 =	simm.s32 $0x18100;
	s23 =	simm.s32 $0x18900;
	[smem:$0x7F5] =	sst s18  }
0x20: {  	s24 =	simm.s32 $0x19100;
	s25 =	simm.s32 $0x19900;
	[smem:$0x7F6] =	sst s19  }
0x21: {  	s26 =	simm.s32 $0x1A100;
	s6 =	sadd.s32 s6, s4;
	[smem:$0x7F7] =	sst s20  }
0x22: {  	s4 =	sadd.s32 $0x1E00, s4;
	s7 =	sshrl.u32 s7, $0x3;
	[smem:$0x7F8] =	sst s21  }
0x23: {  	s11 =	simm.s32 $0x1100;
	s12 =	simm.s32 $0x1900;
	[smem:$0x7F9] =	sst s22  }
0x24: {  	s13 =	simm.s32 $0x2100;
	s14 =	simm.s32 $0x2900;
	[smem:$0x7FA] =	sst s23  }
0x25: {  	s15 =	simm.s32 $0x3100;
	s16 =	simm.s32 $0x3900;
	[smem:$0x7FB] =	sst s24  }
0x26: {  	s17 =	simm.s32 $0x4100;
	s18 =	simm.s32 $0x4900;
	[smem:$0x7FC] =	sst s25  }
0x27: {  	s19 =	simm.s32 $0x5100;
	[smem:$0x7FD] =	sst s26;
	s6 =	sadd.s32 $0x1A00, s6  }
0x28: {  	s20 =	simm.s32 $0x5900;
	s5 =	sadd.s32 s4, s5;
	[dreg:$0x3] =	wrdreg s6  }
0x29: {  	s4 =	sadd.s32 s4, s7;
	s7 =	simm.s32 $0x10100;
	[dreg:$0x4] =	wrdreg s5  }
0x2a: {  	s21 =	simm.s32 $0xA100;
	s9 =	sadd.s32 $0x1400, s4;
	[dreg:$0x1b] =	wrdreg s7  }
0x2b: {  	s22 =	simm.s32 $0x14100;
	s10 =	sadd.s32 $0x2800, s4;
	[dreg:$0x5] =	wrdreg s9  }
0x2c: {  	s24 =	simm.s32 $0x1B100;
	s4 =	sadd.s32 $0x3800, s4;
	[dreg:$0x6] =	wrdreg s10  }
0x2d: {  	s25 =	simm.s32 $0x1B900;
	s5 =	simm.s32 $0xF100;
	[dreg:$0x7] =	wrdreg s4  }
0x2e: {  	s26 =	simm.s32 $0x1;
	s6 =	simm.s32 $0xF900;
	[dreg:$0x19] =	wrdreg s5  }
0x2f: {  	s7 =	smax.u32 s1, $0x1;
	s1 =	simm.s32 $0x6;
	[dreg:$0x1a] =	wrdreg s6  }
0x30: {  	v2 =	vlaneseq.u32;
	s9 =	simm.s32 $0x10900;
	s10 =	simm.s32 $0x11100;
	s4 =	sadd.s32 $0x100, s2  }
0x31: {  	vm0 =	vmmov $0xffff;
	v1 =	vshrl.u32 v2, $0x3;
	s5 =	sadd.s32 $0x200, s2;
	s6 =	sadd.s32 $0x300, s2;
	[dreg:$0x1c] =	wrdreg s9  }
0x32: {  	v0 =	vand.u32 $0x7, v2;
	v2 =	vor.u32 $0x8, v2;
	v1 =	vmul.u32 $0x8, v1;
	[dreg:$0x1d] =	wrdreg s10;
	s9 =	simm.s32 $0x100;
	s10 =	simm.s32 $0x900  }
.LBB2_1:
0x33: {  	s0 =	rddreg [dreg:$0x3]  }
0x34: {  	[tilespmem:s3], [sflag:$0x7] =	stream.linear.gather [hbm4b:s0+s3], $0x88, $0x38;
	[tilespmem:$0x1E100] =	vst v63  }
0x35: {  	_ =	swait.ge [sflag:s8], $0x88  }
0x36: {  	[sflag:s8] =	ssyncset.done $0x0  }
0x37: {  	[sflag:s8] =	ssyncadd.s32 $0xFFFFFF78  }
0x38: {  	v3 =	vld [tilespmem:$0x0];
	_ =	sdelay $0x4  }
0x39: {  	v4 =	vshll.u32 v3, $0x3  }
0x3a: {  	v3 =	vand.u32 $0x7, v3;
	v4 =	vand.u32 $0xFFFFFFC0, v4  }
0x3b: {  	v3 =	vor.u32 v3, v4  }
0x3c: {  	v4 =	vperm.xlane v3, v0;
	_ =	sdelay $0x1  }
0x3d: {  	v4 =	vadd.s32 v1, v4;
	_ =	sdelay $0x4  }
0x3e: {  	[tilespmem:s9], [sflag:$0x1] =	stream.indirect_vreg.gather [hbm4b:s2+s3], $0x80, v4, vm0, $0xb8;
	[tilespmem:$0x1E100] =	vst v63  }
0x3f: {  	v3 =	vperm.xlane v3, v2  }
0x40: {  	[tilespmem:s10], [sflag:$0x1] =	stream.indirect_vreg.gather [hbm4b:s4+s3], $0x80, v4, vm0, $0xb8;
	[tilespmem:$0x1E100] =	vst v63  }
0x41: {  	v3 =	vadd.s32 v1, v3  }
0x42: {  	[tilespmem:s11], [sflag:$0x1] =	stream.indirect_vreg.gather [hbm4b:s5+s3], $0x80, v4, vm0, $0xb8;
	[tilespmem:$0x1E100] =	vst v63  }
0x43: {  	_ = 	snop  }
0x44: {  	[tilespmem:s12], [sflag:$0x1] =	stream.indirect_vreg.gather [hbm4b:s6+s3], $0x80, v4, vm0, $0xb8;
	[tilespmem:$0x1E100] =	vst v63  }
0x45: {  	_ = 	snop  }
0x46: {  	[tilespmem:s13], [sflag:$0x1] =	stream.indirect_vreg.gather [hbm4b:s2+s3], $0x80, v3, vm0, $0xb8;
	[tilespmem:$0x1E100] =	vst v63  }
0x47: {  	_ = 	snop  }
0x48: {  	[tilespmem:s14], [sflag:$0x1] =	stream.indirect_vreg.gather [hbm4b:s4+s3], $0x80, v3, vm0, $0xb8;
	[tilespmem:$0x1E100] =	vst v63  }
0x49: {  	_ = 	snop  }
0x4a: {  	[tilespmem:s15], [sflag:$0x1] =	stream.indirect_vreg.gather [hbm4b:s5+s3], $0x80, v3, vm0, $0xb8;
	[tilespmem:$0x1E100] =	vst v63  }
0x4b: {  	_ = 	snop  }
0x4c: {  	[tilespmem:s16], [sflag:$0x1] =	stream.indirect_vreg.gather [hbm4b:s6+s3], $0x80, v3, vm0, $0xb8;
	[tilespmem:$0x1E100] =	vst v63  }
0x4d: {  	v3 =	vld [tilespmem:$0x10];
	_ =	sdelay $0x4  }
0x4e: {  	v55 =	vshll.u32 v3, $0x3  }
0x4f: {  	v3 =	vand.u32 $0x7, v3;
	v4 =	vand.u32 $0xFFFFFFC0, v55  }
0x50: {  	v3 =	vor.u32 v3, v4  }
0x51: {  	v4 =	vperm.xlane v3, v0;
	_ =	sdelay $0x1  }
0x52: {  	v4 =	vadd.s32 v1, v4;
	_ =	sdelay $0x4  }
0x53: {  	[tilespmem:s17], [sflag:$0x1] =	stream.indirect_vreg.gather [hbm4b:s2+s3], $0x80, v4, vm0, $0xb8;
	[tilespmem:$0x1E100] =	vst v63  }
0x54: {  	v3 =	vperm.xlane v3, v2  }
0x55: {  	[tilespmem:s18], [sflag:$0x1] =	stream.indirect_vreg.gather [hbm4b:s4+s3], $0x80, v4, vm0, $0xb8;
	[tilespmem:$0x1E100] =	vst v63  }
0x56: {  	v3 =	vadd.s32 v1, v3  }
0x57: {  	[tilespmem:s19], [sflag:$0x1] =	stream.indirect_vreg.gather [hbm4b:s5+s3], $0x80, v4, vm0, $0xb8;
	[tilespmem:$0x1E100] =	vst v63  }
0x58: {  	_ = 	snop  }
0x59: {  	[tilespmem:s20], [sflag:$0x1] =	stream.indirect_vreg.gather [hbm4b:s6+s3], $0x80, v4, vm0, $0xb8;
	[tilespmem:$0x1E100] =	vst v63  }
0x5a: {  	s0 =	rddreg [dreg:$0x8]  }
0x5b: {  	[tilespmem:s0], [sflag:$0x1] =	stream.indirect_vreg.gather [hbm4b:s2+s3], $0x80, v3, vm0, $0xb8;
	[tilespmem:$0x1E100] =	vst v63  }
0x5c: {  	s23 =	rddreg [dreg:$0x9]  }
0x5d: {  	[tilespmem:s23], [sflag:$0x1] =	stream.indirect_vreg.gather [hbm4b:s4+s3], $0x80, v3, vm0, $0xb8;
	[tilespmem:$0x1E100] =	vst v63  }
0x5e: {  	s0 =	rddreg [dreg:$0xa]  }
0x5f: {  	[tilespmem:s0], [sflag:$0x1] =	stream.indirect_vreg.gather [hbm4b:s5+s3], $0x80, v3, vm0, $0xb8;
	[tilespmem:$0x1E100] =	vst v63  }
0x60: {  	s23 =	rddreg [dreg:$0xb]  }
0x61: {  	[tilespmem:s23], [sflag:$0x1] =	stream.indirect_vreg.gather [hbm4b:s6+s3], $0x80, v3, vm0, $0xb8;
	[tilespmem:$0x1E100] =	vst v63  }
0x62: {  	v3 =	vld.msk [tilespmem:$0x20], $0xff;
	_ =	sdelay $0x4  }
0x63: {  	v56 =	vshll.u32 v3, $0x3  }
0x64: {  	v3 =	vand.u32 $0x7, v3;
	v4 =	vand.u32 $0xFFFFFFC0, v56  }
0x65: {  	v3 =	vor.u32 v3, v4  }
0x66: {  	v3 =	vperm.xlane v3, v0;
	_ =	sdelay $0x1  }
0x67: {  	v3 =	vadd.s32 v1, v3;
	_ =	sdelay $0x3  }
0x68: {  	s0 =	rddreg [dreg:$0xc]  }
0x69: {  	[tilespmem:s0], [sflag:$0x1] =	stream.indirect_vreg.gather [hbm4b:s2+s3], $0x80, v3, vm0, $0xb8;
	[tilespmem:$0x1E100] =	vst v63  }
0x6a: {  	s23 =	rddreg [dreg:$0xd]  }
0x6b: {  	[tilespmem:s23], [sflag:$0x1] =	stream.indirect_vreg.gather [hbm4b:s4+s3], $0x80, v3, vm0, $0xb8;
	[tilespmem:$0x1E100] =	vst v63  }
0x6c: {  	s0 =	rddreg [dreg:$0xe]  }
0x6d: {  	[tilespmem:s0], [sflag:$0x1] =	stream.indirect_vreg.gather [hbm4b:s5+s3], $0x80, v3, vm0, $0xb8;
	[tilespmem:$0x1E100] =	vst v63  }
0x6e: {  	s23 =	rddreg [dreg:$0xf]  }
0x6f: {  	[tilespmem:s23], [sflag:$0x1] =	stream.indirect_vreg.gather [hbm4b:s6+s3], $0x80, v3, vm0, $0xb8;
	[tilespmem:$0x1E100] =	vst v63  }
0x70: {  	v3 =	vld [tilespmem:$0x28];
	_ =	sdelay $0x4  }
0x71: {  	v57 =	vshll.u32 v3, $0x3  }
0x72: {  	v3 =	vand.u32 $0x7, v3;
	v4 =	vand.u32 $0xFFFFFFC0, v57  }
0x73: {  	v3 =	vor.u32 v3, v4  }
0x74: {  	v4 =	vperm.xlane v3, v0;
	_ =	sdelay $0x1  }
0x75: {  	v4 =	vadd.s32 v1, v4;
	_ =	sdelay $0x4  }
0x76: {  	[tilespmem:s21], [sflag:$0x2] =	stream.indirect_vreg.gather [hbm4b:s2+s3], $0x80, v4, vm0, $0xb8;
	[tilespmem:$0x1E100] =	vst v63  }
0x77: {  	s0 =	rddreg [dreg:$0x10];
	v3 =	vperm.xlane v3, v2  }
0x78: {  	[tilespmem:s0], [sflag:$0x2] =	stream.indirect_vreg.gather [hbm4b:s4+s3], $0x80, v4, vm0, $0xb8;
	[tilespmem:$0x1E100] =	vst v63  }
0x79: {  	s23 =	rddreg [dreg:$0x11];
	v3 =	vadd.s32 v1, v3  }
0x7a: {  	[tilespmem:s23], [sflag:$0x2] =	stream.indirect_vreg.gather [hbm4b:s5+s3], $0x80, v4, vm0, $0xb8;
	[tilespmem:$0x1E100] =	vst v63  }
0x7b: {  	s0 =	rddreg [dreg:$0x12]  }
0x7c: {  	[tilespmem:s0], [sflag:$0x2] =	stream.indirect_vreg.gather [hbm4b:s6+s3], $0x80, v4, vm0, $0xb8;
	[tilespmem:$0x1E100] =	vst v63  }
0x7d: {  	s23 =	rddreg [dreg:$0x13]  }
0x7e: {  	[tilespmem:s23], [sflag:$0x2] =	stream.indirect_vreg.gather [hbm4b:s2+s3], $0x80, v3, vm0, $0xb8;
	[tilespmem:$0x1E100] =	vst v63  }
0x7f: {  	s0 =	rddreg [dreg:$0x14]  }
0x80: {  	[tilespmem:s0], [sflag:$0x2] =	stream.indirect_vreg.gather [hbm4b:s4+s3], $0x80, v3, vm0, $0xb8;
	[tilespmem:$0x1E100] =	vst v63  }
0x81: {  	s23 =	rddreg [dreg:$0x15]  }
0x82: {  	[tilespmem:s23], [sflag:$0x2] =	stream.indirect_vreg.gather [hbm4b:s5+s3], $0x80, v3, vm0, $0xb8;
	[tilespmem:$0x1E100] =	vst v63  }
0x83: {  	s0 =	rddreg [dreg:$0x16]  }
0x84: {  	[tilespmem:s0], [sflag:$0x2] =	stream.indirect_vreg.gather [hbm4b:s6+s3], $0x80, v3, vm0, $0xb8;
	[tilespmem:$0x1E100] =	vst v63  }
0x85: {  	v3 =	vld [tilespmem:$0x38];
	_ =	sdelay $0x4  }
0x86: {  	v58 =	vshll.u32 v3, $0x3  }
0x87: {  	v3 =	vand.u32 $0x7, v3;
	v4 =	vand.u32 $0xFFFFFFC0, v58  }
0x88: {  	v3 =	vor.u32 v3, v4  }
0x89: {  	v4 =	vperm.xlane v3, v0;
	_ =	sdelay $0x1  }
0x8a: {  	v4 =	vadd.s32 v1, v4;
	_ =	sdelay $0x3  }
0x8b: {  	s0 =	rddreg [dreg:$0x17]  }
0x8c: {  	[tilespmem:s0], [sflag:$0x2] =	stream.indirect_vreg.gather [hbm4b:s2+s3], $0x80, v4, vm0, $0xb8;
	[tilespmem:$0x1E100] =	vst v63  }
0x8d: {  	s23 =	rddreg [dreg:$0x18];
	v3 =	vperm.xlane v3, v2  }
0x8e: {  	[tilespmem:s23], [sflag:$0x2] =	stream.indirect_vreg.gather [hbm4b:s4+s3], $0x80, v4, vm0, $0xb8;
	[tilespmem:$0x1E100] =	vst v63  }
0x8f: {  	v3 =	vadd.s32 v1, v3;
	s0 =	rddreg [dreg:$0x19]  }
0x90: {  	[tilespmem:s0], [sflag:$0x2] =	stream.indirect_vreg.gather [hbm4b:s5+s3], $0x80, v4, vm0, $0xb8;
	[tilespmem:$0x1E100] =	vst v63  }
0x91: {  	s23 =	rddreg [dreg:$0x1a]  }
0x92: {  	[tilespmem:s23], [sflag:$0x2] =	stream.indirect_vreg.gather [hbm4b:s6+s3], $0x80, v4, vm0, $0xb8;
	[tilespmem:$0x1E100] =	vst v63  }
0x93: {  	s0 =	rddreg [dreg:$0x1b]  }
0x94: {  	[tilespmem:s0], [sflag:$0x2] =	stream.indirect_vreg.gather [hbm4b:s2+s3], $0x80, v3, vm0, $0xb8;
	[tilespmem:$0x1E100] =	vst v63  }
0x95: {  	s23 =	rddreg [dreg:$0x1c]  }
0x96: {  	[tilespmem:s23], [sflag:$0x2] =	stream.indirect_vreg.gather [hbm4b:s4+s3], $0x80, v3, vm0, $0xb8;
	[tilespmem:$0x1E100] =	vst v63  }
0x97: {  	s0 =	rddreg [dreg:$0x1d]  }
0x98: {  	[tilespmem:s0], [sflag:$0x2] =	stream.indirect_vreg.gather [hbm4b:s5+s3], $0x80, v3, vm0, $0xb8;
	[tilespmem:$0x1E100] =	vst v63  }
0x99: {  	s23 =	rddreg [dreg:$0x1e]  }
0x9a: {  	[tilespmem:s23], [sflag:$0x2] =	stream.indirect_vreg.gather [hbm4b:s6+s3], $0x80, v3, vm0, $0xb8;
	[tilespmem:$0x1E100] =	vst v63  }
0x9b: {  	v3 =	vld.msk [tilespmem:$0x48], $0xff;
	_ =	sdelay $0x4  }
0x9c: {  	v59 =	vshll.u32 v3, $0x3  }
0x9d: {  	v3 =	vand.u32 $0x7, v3;
	v4 =	vand.u32 $0xFFFFFFC0, v59  }
0x9e: {  	v3 =	vor.u32 v3, v4  }
0x9f: {  	v3 =	vperm.xlane v3, v0;
	_ =	sdelay $0x1  }
0xa0: {  	v3 =	vadd.s32 v1, v3;
	_ =	sdelay $0x2  }
0xa1: {  	s0 =	rddreg [dreg:$0x1f]  }
0xa2: {  	s23 =	sld [smem:$0x7EF]  }
0xa3: {  	[tilespmem:s0], [sflag:$0x2] =	stream.indirect_vreg.gather [hbm4b:s2+s3], $0x80, v3, vm0, $0xb8;
	[tilespmem:$0x1E100] =	vst v63  }
0xa4: {  	s0 =	sld [smem:$0x7F0]  }
0xa5: {  	[tilespmem:s23], [sflag:$0x2] =	stream.indirect_vreg.gather [hbm4b:s4+s3], $0x80, v3, vm0, $0xb8;
	[tilespmem:$0x1E100] =	vst v63  }
0xa6: {  	s23 =	sld [smem:$0x7F1]  }
0xa7: {  	[tilespmem:s0], [sflag:$0x2] =	stream.indirect_vreg.gather [hbm4b:s5+s3], $0x80, v3, vm0, $0xb8;
	[tilespmem:$0x1E100] =	vst v63  }
0xa8: {  	_ = 	snop  }
0xa9: {  	[tilespmem:s23], [sflag:$0x2] =	stream.indirect_vreg.gather [hbm4b:s6+s3], $0x80, v3, vm0, $0xb8;
	[tilespmem:$0x1E100] =	vst v63  }
0xaa: {  	v3 =	vld [tilespmem:$0x50];
	_ =	sdelay $0x4  }
0xab: {  	v60 =	vshll.u32 v3, $0x3  }
0xac: {  	v3 =	vand.u32 $0x7, v3;
	v4 =	vand.u32 $0xFFFFFFC0, v60  }
0xad: {  	v3 =	vor.u32 v3, v4  }
0xae: {  	v4 =	vperm.xlane v3, v0;
	_ =	sdelay $0x1  }
0xaf: {  	v4 =	vadd.s32 v1, v4;
	_ =	sdelay $0x3  }
0xb0: {  	s0 =	sld [smem:$0x7F2]  }
0xb1: {  	[tilespmem:s22], [sflag:$0x3] =	stream.indirect_vreg.gather [hbm4b:s2+s3], $0x80, v4, vm0, $0xb8;
	[tilespmem:$0x1E100] =	vst v63  }
0xb2: {  	s23 =	sld [smem:$0x7F3];
	v3 =	vperm.xlane v3, v2  }
0xb3: {  	[tilespmem:s0], [sflag:$0x3] =	stream.indirect_vreg.gather [hbm4b:s4+s3], $0x80, v4, vm0, $0xb8;
	[tilespmem:$0x1E100] =	vst v63  }
0xb4: {  	v3 =	vadd.s32 v1, v3;
	s0 =	sld [smem:$0x7F4]  }
0xb5: {  	[tilespmem:s23], [sflag:$0x3] =	stream.indirect_vreg.gather [hbm4b:s5+s3], $0x80, v4, vm0, $0xb8;
	[tilespmem:$0x1E100] =	vst v63  }
0xb6: {  	s23 =	sld [smem:$0x7F5]  }
0xb7: {  	[tilespmem:s0], [sflag:$0x3] =	stream.indirect_vreg.gather [hbm4b:s6+s3], $0x80, v4, vm0, $0xb8;
	[tilespmem:$0x1E100] =	vst v63  }
0xb8: {  	s0 =	sld [smem:$0x7F6]  }
0xb9: {  	[tilespmem:s23], [sflag:$0x3] =	stream.indirect_vreg.gather [hbm4b:s2+s3], $0x80, v3, vm0, $0xb8;
	[tilespmem:$0x1E100] =	vst v63  }
0xba: {  	s23 =	sld [smem:$0x7F7]  }
0xbb: {  	[tilespmem:s0], [sflag:$0x3] =	stream.indirect_vreg.gather [hbm4b:s4+s3], $0x80, v3, vm0, $0xb8;
	[tilespmem:$0x1E100] =	vst v63  }
0xbc: {  	s0 =	sld [smem:$0x7F8]  }
0xbd: {  	[tilespmem:s23], [sflag:$0x3] =	stream.indirect_vreg.gather [hbm4b:s5+s3], $0x80, v3, vm0, $0xb8;
	[tilespmem:$0x1E100] =	vst v63  }
0xbe: {  	_ = 	snop  }
0xbf: {  	[tilespmem:s0], [sflag:$0x3] =	stream.indirect_vreg.gather [hbm4b:s6+s3], $0x80, v3, vm0, $0xb8;
	[tilespmem:$0x1E100] =	vst v63  }
0xc0: {  	v3 =	vld [tilespmem:$0x60];
	_ =	sdelay $0x4  }
0xc1: {  	v61 =	vshll.u32 v3, $0x3  }
0xc2: {  	v3 =	vand.u32 $0x7, v3;
	v4 =	vand.u32 $0xFFFFFFC0, v61  }
0xc3: {  	v3 =	vor.u32 v3, v4  }
0xc4: {  	v4 =	vperm.xlane v3, v0;
	_ =	sdelay $0x1  }
0xc5: {  	v4 =	vadd.s32 v1, v4;
	_ =	sdelay $0x1  }
0xc6: {  	s0 =	sld [smem:$0x7F9];
	_ =	sdelay $0x1  }
0xc7: {  	s23 =	sld [smem:$0x7FA]  }
0xc8: {  	[tilespmem:s0], [sflag:$0x3] =	stream.indirect_vreg.gather [hbm4b:s2+s3], $0x80, v4, vm0, $0xb8;
	[tilespmem:$0x1E100] =	vst v63  }
0xc9: {  	v3 =	vperm.xlane v3, v2;
	s0 =	sld [smem:$0x7FB]  }
0xca: {  	[tilespmem:s23], [sflag:$0x3] =	stream.indirect_vreg.gather [hbm4b:s4+s3], $0x80, v4, vm0, $0xb8;
	[tilespmem:$0x1E100] =	vst v63  }
0xcb: {  	v3 =	vadd.s32 v1, v3;
	s23 =	sld [smem:$0x7FC]  }
0xcc: {  	[tilespmem:s0], [sflag:$0x3] =	stream.indirect_vreg.gather [hbm4b:s5+s3], $0x80, v4, vm0, $0xb8;
	[tilespmem:$0x1E100] =	vst v63  }
0xcd: {  	s0 =	sld [smem:$0x7FD]  }
0xce: {  	[tilespmem:s23], [sflag:$0x3] =	stream.indirect_vreg.gather [hbm4b:s6+s3], $0x80, v4, vm0, $0xb8;
	[tilespmem:$0x1E100] =	vst v63  }
0xcf: {  	_ = 	snop  }
0xd0: {  	[tilespmem:s0], [sflag:$0x3] =	stream.indirect_vreg.gather [hbm4b:s2+s3], $0x80, v3, vm0, $0xb8;
	[tilespmem:$0x1E100] =	vst v63  }
0xd1: {  	s23 =	simm.s32 $0x1A900  }
0xd2: {  	[tilespmem:s23], [sflag:$0x3] =	stream.indirect_vreg.gather [hbm4b:s4+s3], $0x80, v3, vm0, $0xb8;
	[tilespmem:$0x1E100] =	vst v63  }
0xd3: {  	_ = 	snop  }
0xd4: {  	[tilespmem:s24], [sflag:$0x3] =	stream.indirect_vreg.gather [hbm4b:s5+s3], $0x80, v3, vm0, $0xb8;
	[tilespmem:$0x1E100] =	vst v63  }
0xd5: {  	_ = 	snop  }
0xd6: {  	[tilespmem:s25], [sflag:$0x3] =	stream.indirect_vreg.gather [hbm4b:s6+s3], $0x80, v3, vm0, $0xb8;
	[tilespmem:$0x1E100] =	vst v63  }
0xd7: {  	_ =	swait.ge [sflag:s26], $0xA000  }
0xd8: {  	[sflag:s26] =	ssyncset.done $0x0  }
0xd9: {  	s23 =	rddreg [dreg:$0x4];
	[sflag:s26] =	ssyncadd.s32 $0xFFFF6000  }
0xda: {  	[hbm4b:s23+s3] =	stream.linear.scatter [tilespmem:s9], [sflag:$0x4], $0xA000, $0x38;
	[tilespmem:$0x1E100] =	vst v63  }
0xdb: {  	_ =	swait.ge [sflag:s28], $0xA000  }
0xdc: {  	[sflag:s28] =	ssyncset.done $0x0  }
0xdd: {  	s23 =	rddreg [dreg:$0x5];
	[sflag:s28] =	ssyncadd.s32 $0xFFFF6000  }
0xde: {  	[hbm4b:s23+s3] =	stream.linear.scatter [tilespmem:s21], [sflag:$0x5], $0xA000, $0x38;
	[tilespmem:$0x1E100] =	vst v63  }
0xdf: {  	_ =	swait.ge [sflag:s29], $0xA000  }
0xe0: {  	[sflag:s29] =	ssyncset.done $0x0  }
0xe1: {  	[sflag:s29] =	ssyncadd.s32 $0xFFFF6000  }
0xe2: {  	v3 =	vld [tilespmem:$0x70];
	_ =	sdelay $0x4  }
0xe3: {  	v62 =	vshll.u32 v3, $0x3  }
0xe4: {  	v3 =	vand.u32 $0x7, v3;
	v4 =	vand.u32 $0xFFFFFFC0, v62  }
0xe5: {  	v3 =	vor.u32 v3, v4  }
0xe6: {  	v4 =	vperm.xlane v3, v0;
	_ =	sdelay $0x1  }
0xe7: {  	v4 =	vadd.s32 v1, v4;
	_ =	sdelay $0x4  }
0xe8: {  	[tilespmem:s9], [sflag:$0x1] =	stream.indirect_vreg.gather [hbm4b:s2+s3], $0x80, v4, vm0, $0xb8;
	[tilespmem:$0x1E100] =	vst v63  }
0xe9: {  	v3 =	vperm.xlane v3, v2  }
0xea: {  	[tilespmem:s10], [sflag:$0x1] =	stream.indirect_vreg.gather [hbm4b:s4+s3], $0x80, v4, vm0, $0xb8;
	[tilespmem:$0x1E100] =	vst v63  }
0xeb: {  	v3 =	vadd.s32 v1, v3  }
0xec: {  	[tilespmem:s11], [sflag:$0x1] =	stream.indirect_vreg.gather [hbm4b:s5+s3], $0x80, v4, vm0, $0xb8;
	[tilespmem:$0x1E100] =	vst v63  }
0xed: {  	_ = 	snop  }
0xee: {  	[tilespmem:s12], [sflag:$0x1] =	stream.indirect_vreg.gather [hbm4b:s6+s3], $0x80, v4, vm0, $0xb8;
	[tilespmem:$0x1E100] =	vst v63  }
0xef: {  	_ = 	snop  }
0xf0: {  	[tilespmem:s13], [sflag:$0x1] =	stream.indirect_vreg.gather [hbm4b:s2+s3], $0x80, v3, vm0, $0xb8;
	[tilespmem:$0x1E100] =	vst v63  }
0xf1: {  	_ = 	snop  }
0xf2: {  	[tilespmem:s14], [sflag:$0x1] =	stream.indirect_vreg.gather [hbm4b:s4+s3], $0x80, v3, vm0, $0xb8;
	[tilespmem:$0x1E100] =	vst v63  }
0xf3: {  	_ = 	snop  }
0xf4: {  	[tilespmem:s15], [sflag:$0x1] =	stream.indirect_vreg.gather [hbm4b:s5+s3], $0x80, v3, vm0, $0xb8;
	[tilespmem:$0x1E100] =	vst v63  }
0xf5: {  	_ = 	snop  }
0xf6: {  	[tilespmem:s16], [sflag:$0x1] =	stream.indirect_vreg.gather [hbm4b:s6+s3], $0x80, v3, vm0, $0xb8;
	[tilespmem:$0x1E100] =	vst v63  }
0xf7: {  	v3 =	vld.msk [tilespmem:$0x80], $0xff;
	_ =	sdelay $0x4  }
0xf8: {  	v63 =	vshll.u32 v3, $0x3  }
0xf9: {  	v3 =	vand.u32 $0x7, v3;
	v4 =	vand.u32 $0xFFFFFFC0, v63  }
0xfa: {  	v3 =	vor.u32 v3, v4  }
0xfb: {  	v3 =	vperm.xlane v3, v0;
	_ =	sdelay $0x1  }
0xfc: {  	v3 =	vadd.s32 v1, v3;
	_ =	sdelay $0x4  }
0xfd: {  	[tilespmem:s17], [sflag:$0x1] =	stream.indirect_vreg.gather [hbm4b:s2+s3], $0x80, v3, vm0, $0xb8;
	[tilespmem:$0x1E100] =	vst v63  }
0xfe: {  	_ = 	snop  }
0xff: {  	[tilespmem:s18], [sflag:$0x1] =	stream.indirect_vreg.gather [hbm4b:s4+s3], $0x80, v3, vm0, $0xb8;
	[tilespmem:$0x1E100] =	vst v63  }
0x100: {  	_ = 	snop  }
0x101: {  	[tilespmem:s19], [sflag:$0x1] =	stream.indirect_vreg.gather [hbm4b:s5+s3], $0x80, v3, vm0, $0xb8;
	[tilespmem:$0x1E100] =	vst v63  }
0x102: {  	_ = 	snop  }
0x103: {  	[tilespmem:s20], [sflag:$0x1] =	stream.indirect_vreg.gather [hbm4b:s6+s3], $0x80, v3, vm0, $0xb8;
	[tilespmem:$0x1E100] =	vst v63  }
0x104: {  	_ =	swait.ge [sflag:s30], $0x8000  }
0x105: {  	[sflag:s30] =	ssyncset.done $0x0  }
0x106: {  	s23 =	rddreg [dreg:$0x6];
	[sflag:s30] =	ssyncadd.s32 $0xFFFF8000  }
0x107: {  	[hbm4b:s23+s3] =	stream.linear.scatter [tilespmem:s22], [sflag:$0x6], $0x8000, $0x38;
	[tilespmem:$0x1E100] =	vst v63  }
0x108: {  	_ =	swait.ge [sflag:s26], $0x6000  }
0x109: {  	[sflag:s26] =	ssyncset.done $0x0  }
0x10a: {  	s23 =	rddreg [dreg:$0x7];
	[sflag:s26] =	ssyncadd.s32 $0xFFFFA000  }
0x10b: {  	[hbm4b:s23+s3] =	stream.linear.scatter [tilespmem:s9], [sflag:$0x4], $0x6000, $0x38;
	[tilespmem:$0x1E100] =	vst v63  }
0x10c: {  	_ =	swait.ge [sflag:s31], $0xA000  }
0x10d: {  	[sflag:s31] =	ssyncset.done $0x0  }
0x10e: {  	[sflag:s31] =	ssyncadd.s32 $0xFFFF6000  }
0x10f: {  	p0 =	sne.s32 s7, $0x1;
	_ =	swait.ge [sflag:s1], $0x8000  }
.Ltmp0:
0x110: {  	[sflag:s1] =	ssyncset.done $0x0;
	(pc) =	sbr.rel @p0 .LBB2_1-.Ltmp0, $4  }
0x111: {  	[sflag:s1] =	ssyncadd.s32 $0xFFFF8000  }
0x112: {  	_ =	swait.ge [sflag:s29], $0x6000  }
0x113: {  	[sflag:s29] =	ssyncset.done $0x0  }
0x114: {  	s7 =	sadd.s32 $0xFFFFFFFF, s7;
	[sflag:s29] =	ssyncadd.s32 $0xFFFFA000  }
0x115: {  	_ =	sfence.sel $0x180000  }
0x116: {  	[bflag:$0x0] =	sbarrier.arrive $0xFFFF  }
0x117: {  	_ =	strace $0x9000004A  }
0x118: {  	s0 =	stileid.u32;
	[bflag:$0x2] =	sbarrier.arrive $0xFFFF  }
0x119: {  	p0 =	sne.s32 s0, $0x0;
	s0 =	rddreg [dreg:$0x2]  }
0x11a: {  	s0 =	sadd.s32 @!p0 $0x100000, s0  }
0x11b: {  	[sflag:s0] =	ssyncadd.tile.s32 @!p0 $0x1;
	_ =	shalt  }
.Lfunc_end2:
_tile_overlayer_lowered:
.L_overlay_start_2:
0x11c: {  	(tag) =	ssettag $0x2  }
0x11d: {  	s0 =	rddreg [dreg:$0x0];
	s2 =	stileid.u32  }
0x11e: {  	s1 =	rddreg [dreg:$0x1];
	p0 =	sne.s32 s2, $0x0  }
0x11f: {  	s3 =	rddreg [dreg:$0x2];
	[bflag:$0x3] =	sbarrier.arrive $0xFFFF;
	s2 =	simm.s32 @!p0 $0x1C07  }
0x120: {  	[timem:s3], [sflag:s2] =	dma.local @!p0 [hbm:s0], s1  }
0x121: {  	s0 =	simm.s32 @!p0 $0x7  }
0x122: {  	_ =	swait.ge @!p0 [sflag:s0], s1  }
0x123: {  	s1 =	ssub.s32 @!p0 $0x0, s1;
	[sflag:s0] =	ssyncset.done @!p0 $0x0  }
0x124: {  	[sflag:s0] =	ssyncadd.s32 @!p0 s1  }
0x125: {  	[bflag:$0x3] =	sbarrier.arrive $0xFFFF  }
0x126: {  	_ =	shalt  }

</sc_bundles>
